<compile_context>
chip_gen: v7x
topology: tpu7x:2x2x1
jax: 0.10.2.dev20260603
libtpu: 0.0.44.dev20260713+nightly
codegen_flags: <defaults>
</compile_context>

<pallas_src>
import functools

import jax
import jax.numpy as jnp
from jax import lax
from jax.experimental import pallas as pl
from jax.experimental.pallas import tpu as pltpu
from jax.experimental.pallas import tpu_sc as plsc

N_NODES_K = 10000
N_PAD = 10240
TRASH = N_NODES_K
NC = 2
NS = 16
NW = NC * NS
CH = 128
E_EDGES = 320000
NBUF = 4
K_PW = 80
E_PAD = NW * CH * K_PW
STRIPE = N_PAD // NS

_MESH = plsc.VectorSubcoreMesh(
    core_axis_name="c", subcore_axis_name="s", num_cores=NC, num_subcores=NS)


def _make_deg_kernel():
    @functools.partial(
        pl.kernel,
        out_type=jax.ShapeDtypeStruct((NC, N_PAD, 8), jnp.float32),
        mesh=_MESH,
        scratch_types=[
            pltpu.VMEM((K_PW, CH), jnp.int32),
            pltpu.VMEM((CH, 8), jnp.float32),
            pltpu.VMEM_SHARED((N_PAD, 8), jnp.float32),
        ],
        compiler_params=pltpu.CompilerParams(use_tc_tiling_on_sc=False),
    )
    def deg_kernel(dst_hbm, ones_hbm, zeros_hbm, out_hbm, dst_v, ones_v, acc):
        cid = lax.axis_index("c")
        sid = lax.axis_index("s")
        wid = cid * NS + sid
        rows = pl.ds(sid * STRIPE, STRIPE)
        pltpu.sync_copy(zeros_hbm, acc.at[rows])
        pltpu.sync_copy(dst_hbm.at[wid], dst_v)
        pltpu.sync_copy(ones_hbm, ones_v)
        plsc.subcore_barrier()

        def body(j, carry):
            pltpu.sync_copy(ones_v, acc.at[dst_v.at[j]], add=True)
            return carry

        lax.fori_loop(0, K_PW, body, 0)
        plsc.subcore_barrier()
        pltpu.sync_copy(acc.at[rows], out_hbm.at[cid, rows])

    return deg_kernel


def _make_agg_kernel():
    @functools.partial(
        pl.kernel,
        out_type=jax.ShapeDtypeStruct((NC, N_PAD, 32), jnp.float32),
        mesh=_MESH,
        scratch_types=[
            pltpu.VMEM((K_PW, CH), jnp.int32),
            pltpu.VMEM((K_PW, CH), jnp.int32),
            [pltpu.VMEM((CH, 32), jnp.float32) for _ in range(NBUF)],
            pltpu.VMEM_SHARED((N_PAD, 32), jnp.float32),
            pltpu.VMEM_SHARED((N_PAD, 32), jnp.float32),
            [pltpu.SemaphoreType.DMA for _ in range(NBUF)],
            [pltpu.SemaphoreType.DMA for _ in range(NBUF)],
        ],
        compiler_params=pltpu.CompilerParams(use_tc_tiling_on_sc=False),
    )
    def agg_kernel(table_hbm, src_hbm, dst_hbm, zeros_hbm, out_hbm,
                   src_v, dst_v, bufs, acc, table_sp, gsems, ssems):
        cid = lax.axis_index("c")
        sid = lax.axis_index("s")
        wid = cid * NS + sid
        rows = pl.ds(sid * STRIPE, STRIPE)
        pltpu.sync_copy(table_hbm.at[rows], table_sp.at[rows])
        pltpu.sync_copy(zeros_hbm, acc.at[rows])
        pltpu.sync_copy(src_hbm.at[wid], src_v)
        pltpu.sync_copy(dst_hbm.at[wid], dst_v)
        plsc.subcore_barrier()

        for b in range(NBUF - 1):
            pltpu.async_copy(table_sp.at[src_v.at[b]], bufs[b], gsems[b])

        def body(i, carry):
            for b in range(NBUF):
                c = i * NBUF + b
                nxt = c + NBUF - 1
                nb = (b + NBUF - 1) % NBUF

                @pl.when((nxt < K_PW) & (c >= 1))
                def _():
                    pltpu.make_async_copy(
                        bufs[nb], acc.at[dst_v.at[c - 1]], ssems[nb]).wait()

                @pl.when(nxt < K_PW)
                def _():
                    pltpu.async_copy(
                        table_sp.at[src_v.at[nxt]], bufs[nb], gsems[nb])

                pltpu.make_async_copy(
                    table_sp.at[src_v.at[c]], bufs[b], gsems[b]).wait()
                pltpu.async_copy(
                    bufs[b], acc.at[dst_v.at[c]], ssems[b], add=True)
            return carry

        lax.fori_loop(0, K_PW // NBUF, body, 0)
        for b in range(NBUF):
            pltpu.make_async_copy(
                bufs[b], acc.at[dst_v.at[K_PW - NBUF + b]], ssems[b]).wait()
        plsc.subcore_barrier()
        pltpu.sync_copy(acc.at[rows], out_hbm.at[cid, rows])

    return agg_kernel


_R = 2048


def _tc1_body(x_ref, w_ref, d0_ref, d1_ref, out_ref):
    deg = d0_ref[:, 0:1] + d1_ref[:, 0:1] + 1.0
    dinv = lax.rsqrt(deg)
    t = jnp.dot(x_ref[...], w_ref[...], preferred_element_type=jnp.float32)
    out_ref[...] = t * dinv


def _tc2_body(a0_ref, a1_ref, ts_ref, d0_ref, d1_ref, b1_ref, out_ref):
    deg = d0_ref[:, 0:1] + d1_ref[:, 0:1] + 1.0
    dinv = lax.rsqrt(deg)
    h = dinv * (a0_ref[...] + a1_ref[...] + ts_ref[...]) + b1_ref[...]
    out_ref[...] = jnp.maximum(h, 0.0) * dinv


def _tc3_body(a0_ref, a1_ref, hs_ref, d0_ref, d1_ref,
              wm_ref, bm_ref, wl_ref, bl_ref, mu_ref, ls_ref):
    deg = d0_ref[:, 0:1] + d1_ref[:, 0:1] + 1.0
    dinv = lax.rsqrt(deg)
    p = dinv * (a0_ref[...] + a1_ref[...] + hs_ref[...])
    mu_ref[...] = jnp.dot(p, wm_ref[...], preferred_element_type=jnp.float32) + bm_ref[...]
    ls_ref[...] = jnp.dot(p, wl_ref[...], preferred_element_type=jnp.float32) + bl_ref[...]


def _row_spec(w):
    return pl.BlockSpec((_R, w), lambda i: (i, 0))


def _full_spec(shape):
    return pl.BlockSpec(shape, lambda i: (0,) * len(shape))


def kernel(x, edge_index, W1, b1, W_mu, b_mu, W_ls, b_ls):
    src = edge_index[0].astype(jnp.int32)
    dst = edge_index[1].astype(jnp.int32)
    npad_e = E_PAD - E_EDGES
    pad_idx = jnp.full((npad_e,), TRASH, dtype=jnp.int32)
    src_p = jnp.concatenate([src, pad_idx]).reshape(NW, K_PW, CH)
    dst_p = jnp.concatenate([dst, pad_idx]).reshape(NW, K_PW, CH)

    x_pad = jnp.pad(x, ((0, N_PAD - N_NODES_K), (0, 0)))
    ones8 = jnp.ones((CH, 8), dtype=jnp.float32)
    zeros8 = jnp.zeros((STRIPE, 8), dtype=jnp.float32)
    zeros32 = jnp.zeros((STRIPE, 32), dtype=jnp.float32)

    deg_kernel = _make_deg_kernel()
    agg_kernel = _make_agg_kernel()

    deg_parts = deg_kernel(dst_p, ones8, zeros8)
    d0, d1 = deg_parts[0], deg_parts[1]

    grid = N_PAD // _R
    ts = pl.pallas_call(
        _tc1_body,
        grid=(grid,),
        in_specs=[_row_spec(128), _full_spec((128, 32)), _row_spec(8), _row_spec(8)],
        out_specs=_row_spec(32),
        out_shape=jax.ShapeDtypeStruct((N_PAD, 32), jnp.float32),
    )(x_pad, W1, d0, d1)

    agg1 = agg_kernel(ts, src_p, dst_p, zeros32)

    hs = pl.pallas_call(
        _tc2_body,
        grid=(grid,),
        in_specs=[_row_spec(32), _row_spec(32), _row_spec(32),
                  _row_spec(8), _row_spec(8), _full_spec((1, 32))],
        out_specs=_row_spec(32),
        out_shape=jax.ShapeDtypeStruct((N_PAD, 32), jnp.float32),
    )(agg1[0], agg1[1], ts, d0, d1, b1.reshape(1, 32))

    agg2 = agg_kernel(hs, src_p, dst_p, zeros32)

    mu, ls = pl.pallas_call(
        _tc3_body,
        grid=(grid,),
        in_specs=[_row_spec(32), _row_spec(32), _row_spec(32),
                  _row_spec(8), _row_spec(8),
                  _full_spec((32, 16)), _full_spec((1, 16)),
                  _full_spec((32, 16)), _full_spec((1, 16))],
        out_specs=[_row_spec(16), _row_spec(16)],
        out_shape=[jax.ShapeDtypeStruct((N_PAD, 16), jnp.float32),
                   jax.ShapeDtypeStruct((N_PAD, 16), jnp.float32)],
    )(agg2[0], agg2[1], hs, d0, d1,
      W_mu, b_mu.reshape(1, 16), W_ls, b_ls.reshape(1, 16))

    return (mu[:N_NODES_K], ls[:N_NODES_K])

# --- scband reference (transcript-rebuilt; emitter-appended) ---
"""Pipeline reference for scband-variational-gcnencoder-32255204393505 (READ-ONLY COPY).

The authoritative reference and input builder live on the scoring server;
editing this copy changes nothing except your own understanding.
"""

import jax, jax.numpy as jnp
import numpy as np

N_NODES = 10000


def gcn_conv(x, edge_index, W, b, num_nodes):
    # PyG GCNConv: add self-loops, symmetric normalization, linear transform, scatter-add, bias
    src = edge_index[0]
    dst = edge_index[1]
    loop = jnp.arange(num_nodes, dtype=edge_index.dtype)
    src = jnp.concatenate([src, loop])
    dst = jnp.concatenate([dst, loop])
    deg = jnp.zeros((num_nodes,), dtype=x.dtype).at[dst].add(1.0)
    dinv = jnp.where(deg > 0, 1.0 / jnp.sqrt(deg), 0.0)
    norm = dinv[src] * dinv[dst]
    h = x @ W
    msg = h[src] * norm[:, None]
    out = jnp.zeros((num_nodes, W.shape[1]), dtype=x.dtype).at[dst].add(msg)
    return out + b


def setup_inputs(seed: int = 0) -> dict:
    key = jax.random.key(seed)
    ks = jax.random.split(key, 8)
    in_ch = 128
    z = 16
    hid = 2 * z
    x = jax.random.normal(ks[0], (N_NODES, in_ch), dtype=jnp.float32)
    edge_index = jax.random.randint(ks[1], (2, 320000), 0, N_NODES, dtype=jnp.int64)
    W1 = jax.random.normal(ks[2], (in_ch, hid), dtype=jnp.float32) * (1.0 / np.sqrt(in_ch))
    b1 = jnp.zeros((hid,), dtype=jnp.float32)
    W_mu = jax.random.normal(ks[3], (hid, z), dtype=jnp.float32) * (1.0 / np.sqrt(hid))
    b_mu = jnp.zeros((z,), dtype=jnp.float32)
    W_ls = jax.random.normal(ks[4], (hid, z), dtype=jnp.float32) * (1.0 / np.sqrt(hid))
    b_ls = jnp.zeros((z,), dtype=jnp.float32)
    return {"x": x, "edge_index": edge_index, "W1": W1, "b1": b1, "W_mu": W_mu, "b_mu": b_mu, "W_ls": W_ls, "b_ls": b_ls}


def reference(x, edge_index, W1, b1, W_mu, b_mu, W_ls, b_ls):
    h = gcn_conv(x, edge_index, W1, b1, N_NODES)
    h = jax.nn.relu(h)
    mu = gcn_conv(h, edge_index, W_mu, b_mu, N_NODES)
    logstd = gcn_conv(h, edge_index, W_ls, b_ls, N_NODES)
    return (mu, logstd)

if __name__ == "__main__":
    import jax
    _d = setup_inputs()
    print(jax.jit(kernel)(*tuple(_d.values())))

</pallas_src>

<mosaic_0001>
#map = affine_map<(d0, d1) -> (0, 0)>
#map1 = affine_map<(d0, d1) -> (0, 0, 0)>
module attributes {stable_mosaic.version = 14 : i64} {
  func.func @agg_kernel(%arg0: i32, %arg1: i32, %arg2: memref<10240x32xf32, #tpu.memory_space<hbm>>, %arg3: memref<32x80x128xi32, #tpu.memory_space<hbm>>, %arg4: memref<32x80x128xi32, #tpu.memory_space<hbm>>, %arg5: memref<640x32xf32, #tpu.memory_space<hbm>>, %arg6: memref<2x10240x32xf32, #tpu.memory_space<hbm>>, %arg7: memref<80x128xi32, #tpu.memory_space<vmem>>, %arg8: memref<80x128xi32, #tpu.memory_space<vmem>>, %arg9: memref<128x32xf32, #tpu.memory_space<vmem>>, %arg10: memref<128x32xf32, #tpu.memory_space<vmem>>, %arg11: memref<128x32xf32, #tpu.memory_space<vmem>>, %arg12: memref<128x32xf32, #tpu.memory_space<vmem>>, %arg13: memref<10240x32xf32, #tpu.memory_space<vmem_shared>>, %arg14: memref<10240x32xf32, #tpu.memory_space<vmem_shared>>, %arg15: memref<!tpu.dma_semaphore, #tpu.memory_space<semaphore_mem>>, %arg16: memref<!tpu.dma_semaphore, #tpu.memory_space<semaphore_mem>>, %arg17: memref<!tpu.dma_semaphore, #tpu.memory_space<semaphore_mem>>, %arg18: memref<!tpu.dma_semaphore, #tpu.memory_space<semaphore_mem>>, %arg19: memref<!tpu.dma_semaphore, #tpu.memory_space<semaphore_mem>>, %arg20: memref<!tpu.dma_semaphore, #tpu.memory_space<semaphore_mem>>, %arg21: memref<!tpu.dma_semaphore, #tpu.memory_space<semaphore_mem>>, %arg22: memref<!tpu.dma_semaphore, #tpu.memory_space<semaphore_mem>>) attributes {dimension_semantics = [#tpu.dimension_semantics<core_parallel>, #tpu.dimension_semantics<subcore_parallel>], iteration_bounds = array<i64: 2, 16>, scalar_prefetch = 0 : i64, scratch_operands = 16 : i64, tpu.core_type = #tpu.core_type<sc_vector_subcore>, window_params = [{transform_indices = #map}, {transform_indices = #map1}, {transform_indices = #map1}, {transform_indices = #map}, {transform_indices = #map1}]} {
    %mul3A = arith.constant 16 : i32
    %mul3A_0 = arith.muli %arg0, %mul3A : i32
    %add3A = arith.addi %mul3A_0, %arg1 : i32
    %mul3A_1 = arith.constant 640 : i32
    %mul3A_2 = arith.muli %arg1, %mul3A_1 : i32
    "tpu.region"() ({
      %run_scoped3A = tpu.sem_alloc : memref<!tpu.dma_semaphore, #tpu.memory_space<semaphore_mem>>
      %dma_start3A_56 = arith.constant 0 : i32
      %dma_start3A_57 = tpu.memref_slice %arg14[%mul3A_2, %dma_start3A_56] : memref<10240x32xf32, #tpu.memory_space<vmem_shared>> -> memref<640x32xf32, #tpu.memory_space<vmem_shared>>
      %dma_start3A_58 = arith.constant 0 : i32
      %dma_start3A_59 = tpu.memref_slice %arg2[%mul3A_2, %dma_start3A_58] : memref<10240x32xf32, #tpu.memory_space<hbm>> -> memref<640x32xf32, #tpu.memory_space<hbm>>
      tpu.enqueue_dma source(%dma_start3A_59 : memref<640x32xf32, #tpu.memory_space<hbm>>) target(%dma_start3A_57 : memref<640x32xf32, #tpu.memory_space<vmem_shared>>) target_semaphore(%run_scoped3A : memref<!tpu.dma_semaphore, #tpu.memory_space<semaphore_mem>>)
      %dma_wait3A_60 = arith.constant 0 : i32
      %dma_wait3A_61 = tpu.memref_slice %arg14[%mul3A_2, %dma_wait3A_60] : memref<10240x32xf32, #tpu.memory_space<vmem_shared>> -> memref<640x32xf32, #tpu.memory_space<vmem_shared>>
      %dma_wait3A_62 = arith.constant 0 : i32
      %dma_wait3A_63 = tpu.memref_slice %arg2[%mul3A_2, %dma_wait3A_62] : memref<10240x32xf32, #tpu.memory_space<hbm>> -> memref<640x32xf32, #tpu.memory_space<hbm>>
      tpu.wait_dma2 semaphore(%run_scoped3A : memref<!tpu.dma_semaphore, #tpu.memory_space<semaphore_mem>>) src(%dma_wait3A_63 : memref<640x32xf32, #tpu.memory_space<hbm>>) dst(%dma_wait3A_61 : memref<640x32xf32, #tpu.memory_space<vmem_shared>>)
      tpu.yield
    }) : () -> ()
    "tpu.region"() ({
      %run_scoped3A = tpu.sem_alloc : memref<!tpu.dma_semaphore, #tpu.memory_space<semaphore_mem>>
      %dma_start3A_56 = arith.constant 0 : i32
      %dma_start3A_57 = tpu.memref_slice %arg13[%mul3A_2, %dma_start3A_56] : memref<10240x32xf32, #tpu.memory_space<vmem_shared>> -> memref<640x32xf32, #tpu.memory_space<vmem_shared>>
      tpu.enqueue_dma source(%arg5 : memref<640x32xf32, #tpu.memory_space<hbm>>) target(%dma_start3A_57 : memref<640x32xf32, #tpu.memory_space<vmem_shared>>) target_semaphore(%run_scoped3A : memref<!tpu.dma_semaphore, #tpu.memory_space<semaphore_mem>>)
      %dma_wait3A_58 = arith.constant 0 : i32
      %dma_wait3A_59 = tpu.memref_slice %arg13[%mul3A_2, %dma_wait3A_58] : memref<10240x32xf32, #tpu.memory_space<vmem_shared>> -> memref<640x32xf32, #tpu.memory_space<vmem_shared>>
      tpu.wait_dma2 semaphore(%run_scoped3A : memref<!tpu.dma_semaphore, #tpu.memory_space<semaphore_mem>>) src(%arg5 : memref<640x32xf32, #tpu.memory_space<hbm>>) dst(%dma_wait3A_59 : memref<640x32xf32, #tpu.memory_space<vmem_shared>>)
      tpu.yield
    }) : () -> ()
    "tpu.region"() ({
      %run_scoped3A = tpu.sem_alloc : memref<!tpu.dma_semaphore, #tpu.memory_space<semaphore_mem>>
      %dma_start3A_56 = arith.constant 0 : i32
      %dma_start3A_57 = arith.constant 0 : i32
      %dma_start3A_58 = tpu.memref_slice %arg3[%add3A, %dma_start3A_56, %dma_start3A_57] : memref<32x80x128xi32, #tpu.memory_space<hbm>> -> memref<1x80x128xi32, #tpu.memory_space<hbm>>
      %dma_start3A_59 = tpu.memref_squeeze %dma_start3A_58 : memref<1x80x128xi32, #tpu.memory_space<hbm>> -> memref<80x128xi32, #tpu.memory_space<hbm>>
      %dma_start3A_60 = arith.constant 0 : i32
      %dma_start3A_61 = arith.constant 0 : i32
      %dma_start3A_62 = tpu.memref_slice %arg3[%add3A, %dma_start3A_60, %dma_start3A_61] : memref<32x80x128xi32, #tpu.memory_space<hbm>> -> memref<1x80x128xi32, #tpu.memory_space<hbm>>
      %dma_start3A_63 = tpu.memref_squeeze %dma_start3A_62 : memref<1x80x128xi32, #tpu.memory_space<hbm>> -> memref<80x128xi32, #tpu.memory_space<hbm>>
      tpu.enqueue_dma source(%dma_start3A_63 : memref<80x128xi32, #tpu.memory_space<hbm>>) target(%arg7 : memref<80x128xi32, #tpu.memory_space<vmem>>) target_semaphore(%run_scoped3A : memref<!tpu.dma_semaphore, #tpu.memory_space<semaphore_mem>>)
      %dma_wait3A_64 = arith.constant 0 : i32
      %dma_wait3A_65 = arith.constant 0 : i32
      %dma_wait3A_66 = tpu.memref_slice %arg3[%add3A, %dma_wait3A_64, %dma_wait3A_65] : memref<32x80x128xi32, #tpu.memory_space<hbm>> -> memref<1x80x128xi32, #tpu.memory_space<hbm>>
      %dma_wait3A_67 = tpu.memref_squeeze %dma_wait3A_66 : memref<1x80x128xi32, #tpu.memory_space<hbm>> -> memref<80x128xi32, #tpu.memory_space<hbm>>
      %dma_wait3A_68 = arith.constant 0 : i32
      %dma_wait3A_69 = arith.constant 0 : i32
      %dma_wait3A_70 = tpu.memref_slice %arg3[%add3A, %dma_wait3A_68, %dma_wait3A_69] : memref<32x80x128xi32, #tpu.memory_space<hbm>> -> memref<1x80x128xi32, #tpu.memory_space<hbm>>
      %dma_wait3A_71 = tpu.memref_squeeze %dma_wait3A_70 : memref<1x80x128xi32, #tpu.memory_space<hbm>> -> memref<80x128xi32, #tpu.memory_space<hbm>>
      tpu.wait_dma2 semaphore(%run_scoped3A : memref<!tpu.dma_semaphore, #tpu.memory_space<semaphore_mem>>) src(%dma_wait3A_71 : memref<80x128xi32, #tpu.memory_space<hbm>>) dst(%arg7 : memref<80x128xi32, #tpu.memory_space<vmem>>)
      tpu.yield
    }) : () -> ()
    "tpu.region"() ({
      %run_scoped3A = tpu.sem_alloc : memref<!tpu.dma_semaphore, #tpu.memory_space<semaphore_mem>>
      %dma_start3A_56 = arith.constant 0 : i32
      %dma_start3A_57 = arith.constant 0 : i32
      %dma_start3A_58 = tpu.memref_slice %arg4[%add3A, %dma_start3A_56, %dma_start3A_57] : memref<32x80x128xi32, #tpu.memory_space<hbm>> -> memref<1x80x128xi32, #tpu.memory_space<hbm>>
      %dma_start3A_59 = tpu.memref_squeeze %dma_start3A_58 : memref<1x80x128xi32, #tpu.memory_space<hbm>> -> memref<80x128xi32, #tpu.memory_space<hbm>>
      %dma_start3A_60 = arith.constant 0 : i32
      %dma_start3A_61 = arith.constant 0 : i32
      %dma_start3A_62 = tpu.memref_slice %arg4[%add3A, %dma_start3A_60, %dma_start3A_61] : memref<32x80x128xi32, #tpu.memory_space<hbm>> -> memref<1x80x128xi32, #tpu.memory_space<hbm>>
      %dma_start3A_63 = tpu.memref_squeeze %dma_start3A_62 : memref<1x80x128xi32, #tpu.memory_space<hbm>> -> memref<80x128xi32, #tpu.memory_space<hbm>>
      tpu.enqueue_dma source(%dma_start3A_63 : memref<80x128xi32, #tpu.memory_space<hbm>>) target(%arg8 : memref<80x128xi32, #tpu.memory_space<vmem>>) target_semaphore(%run_scoped3A : memref<!tpu.dma_semaphore, #tpu.memory_space<semaphore_mem>>)
      %dma_wait3A_64 = arith.constant 0 : i32
      %dma_wait3A_65 = arith.constant 0 : i32
      %dma_wait3A_66 = tpu.memref_slice %arg4[%add3A, %dma_wait3A_64, %dma_wait3A_65] : memref<32x80x128xi32, #tpu.memory_space<hbm>> -> memref<1x80x128xi32, #tpu.memory_space<hbm>>
      %dma_wait3A_67 = tpu.memref_squeeze %dma_wait3A_66 : memref<1x80x128xi32, #tpu.memory_space<hbm>> -> memref<80x128xi32, #tpu.memory_space<hbm>>
      %dma_wait3A_68 = arith.constant 0 : i32
      %dma_wait3A_69 = arith.constant 0 : i32
      %dma_wait3A_70 = tpu.memref_slice %arg4[%add3A, %dma_wait3A_68, %dma_wait3A_69] : memref<32x80x128xi32, #tpu.memory_space<hbm>> -> memref<1x80x128xi32, #tpu.memory_space<hbm>>
      %dma_wait3A_71 = tpu.memref_squeeze %dma_wait3A_70 : memref<1x80x128xi32, #tpu.memory_space<hbm>> -> memref<80x128xi32, #tpu.memory_space<hbm>>
      tpu.wait_dma2 semaphore(%run_scoped3A : memref<!tpu.dma_semaphore, #tpu.memory_space<semaphore_mem>>) src(%dma_wait3A_71 : memref<80x128xi32, #tpu.memory_space<hbm>>) dst(%arg8 : memref<80x128xi32, #tpu.memory_space<vmem>>)
      tpu.yield
    }) : () -> ()
    %barrier3A = arith.constant 0 : index
    tpu.barrier barrier_id(%barrier3A)
    %dma_start3A = arith.constant 0 : i32
    %dma_start3A_3 = arith.constant 0 : i32
    %dma_start3A_4 = tpu.memref_slice %arg7[%dma_start3A, %dma_start3A_3] : memref<80x128xi32, #tpu.memory_space<vmem>> -> memref<1x128xi32, #tpu.memory_space<vmem>>
    %dma_start3A_5 = tpu.memref_squeeze %dma_start3A_4 : memref<1x128xi32, #tpu.memory_space<vmem>> -> memref<128xi32, #tpu.memory_space<vmem>>
    %dma_start3A_6 = arith.constant 0 : i32
    %dma_start3A_7 = arith.constant 0 : i32
    %dma_start3A_8 = tpu.memref_slice %arg14[%dma_start3A_6, %dma_start3A_7] : memref<10240x32xf32, #tpu.memory_space<vmem_shared>> -> memref<10240x32xf32, #tpu.memory_space<vmem_shared>>
    tpu.enqueue_indirect_dma source(%dma_start3A_8 : memref<10240x32xf32, #tpu.memory_space<vmem_shared>>) target(%arg9 : memref<128x32xf32, #tpu.memory_space<vmem>>) offsets(%dma_start3A_5 : memref<128xi32, #tpu.memory_space<vmem>>) semaphore(%arg15 : memref<!tpu.dma_semaphore, #tpu.memory_space<semaphore_mem>>)
    %dma_start3A_9 = arith.constant 1 : i32
    %dma_start3A_10 = arith.constant 0 : i32
    %dma_start3A_11 = tpu.memref_slice %arg7[%dma_start3A_9, %dma_start3A_10] : memref<80x128xi32, #tpu.memory_space<vmem>> -> memref<1x128xi32, #tpu.memory_space<vmem>>
    %dma_start3A_12 = tpu.memref_squeeze %dma_start3A_11 : memref<1x128xi32, #tpu.memory_space<vmem>> -> memref<128xi32, #tpu.memory_space<vmem>>
    %dma_start3A_13 = arith.constant 0 : i32
    %dma_start3A_14 = arith.constant 0 : i32
    %dma_start3A_15 = tpu.memref_slice %arg14[%dma_start3A_13, %dma_start3A_14] : memref<10240x32xf32, #tpu.memory_space<vmem_shared>> -> memref<10240x32xf32, #tpu.memory_space<vmem_shared>>
    tpu.enqueue_indirect_dma source(%dma_start3A_15 : memref<10240x32xf32, #tpu.memory_space<vmem_shared>>) target(%arg10 : memref<128x32xf32, #tpu.memory_space<vmem>>) offsets(%dma_start3A_12 : memref<128xi32, #tpu.memory_space<vmem>>) semaphore(%arg16 : memref<!tpu.dma_semaphore, #tpu.memory_space<semaphore_mem>>)
    %dma_start3A_16 = arith.constant 2 : i32
    %dma_start3A_17 = arith.constant 0 : i32
    %dma_start3A_18 = tpu.memref_slice %arg7[%dma_start3A_16, %dma_start3A_17] : memref<80x128xi32, #tpu.memory_space<vmem>> -> memref<1x128xi32, #tpu.memory_space<vmem>>
    %dma_start3A_19 = tpu.memref_squeeze %dma_start3A_18 : memref<1x128xi32, #tpu.memory_space<vmem>> -> memref<128xi32, #tpu.memory_space<vmem>>
    %dma_start3A_20 = arith.constant 0 : i32
    %dma_start3A_21 = arith.constant 0 : i32
    %dma_start3A_22 = tpu.memref_slice %arg14[%dma_start3A_20, %dma_start3A_21] : memref<10240x32xf32, #tpu.memory_space<vmem_shared>> -> memref<10240x32xf32, #tpu.memory_space<vmem_shared>>
    tpu.enqueue_indirect_dma source(%dma_start3A_22 : memref<10240x32xf32, #tpu.memory_space<vmem_shared>>) target(%arg11 : memref<128x32xf32, #tpu.memory_space<vmem>>) offsets(%dma_start3A_19 : memref<128xi32, #tpu.memory_space<vmem>>) semaphore(%arg17 : memref<!tpu.dma_semaphore, #tpu.memory_space<semaphore_mem>>)
    %scan3A = arith.constant 0 : i32
    %scan3A_23 = arith.constant 0 : i32
    %scan3A_24 = arith.constant 20 : i32
    %scan3A_25 = arith.addi %scan3A_23, %scan3A_24 : i32
    %scan3A_26 = arith.constant 1 : i32
    scf.for %scan3A_56 = %scan3A_23 to %scan3A_25 step %scan3A_26  : i32 {
      %mul3A_57 = arith.constant 4 : i32
      %mul3A_58 = arith.muli %scan3A_56, %mul3A_57 : i32
      %add3A_59 = arith.constant 0 : i32
      %add3A_60 = arith.addi %mul3A_58, %add3A_59 : i32
      %add3A_61 = arith.constant 4 : i32
      %add3A_62 = arith.addi %add3A_60, %add3A_61 : i32
      %sub3A = arith.constant 1 : i32
      %sub3A_63 = arith.subi %add3A_62, %sub3A : i32
      %lt3A = arith.constant 80 : i32
      %lt3A_64 = arith.cmpi slt, %sub3A_63, %lt3A : i32
      %ge3A = arith.constant 1 : i32
      %ge3A_65 = arith.cmpi sge, %add3A_60, %ge3A : i32
      %and3A = arith.andi %lt3A_64, %ge3A_65 : i1
      %convert_element_type3A = arith.extui %and3A : i1 to i32
      %cond3A = arith.constant 0 : i32
      %cond3A_66 = arith.cmpi ne, %convert_element_type3A, %cond3A : i32
      scf.if %cond3A_66 {
        %sub3A_183 = arith.constant 1 : i32
        %sub3A_184 = arith.subi %add3A_60, %sub3A_183 : i32
        %dma_wait3A_185 = arith.constant 0 : i32
        %dma_wait3A_186 = tpu.memref_slice %arg8[%sub3A_184, %dma_wait3A_185] : memref<80x128xi32, #tpu.memory_space<vmem>> -> memref<1x128xi32, #tpu.memory_space<vmem>>
        %dma_wait3A_187 = tpu.memref_squeeze %dma_wait3A_186 : memref<1x128xi32, #tpu.memory_space<vmem>> -> memref<128xi32, #tpu.memory_space<vmem>>
        %dma_wait3A_188 = arith.constant 0 : i32
        %dma_wait3A_189 = arith.constant 0 : i32
        %dma_wait3A_190 = tpu.memref_slice %arg13[%dma_wait3A_188, %dma_wait3A_189] : memref<10240x32xf32, #tpu.memory_space<vmem_shared>> -> memref<10240x32xf32, #tpu.memory_space<vmem_shared>>
        tpu.wait_indirect_dma semaphore(%arg22 : memref<!tpu.dma_semaphore, #tpu.memory_space<semaphore_mem>>) src(%arg12 : memref<128x32xf32, #tpu.memory_space<vmem>>) dst(%dma_wait3A_190 : memref<10240x32xf32, #tpu.memory_space<vmem_shared>>)
      } else {
      }
      %lt3A_67 = arith.constant 80 : i32
      %lt3A_68 = arith.cmpi slt, %sub3A_63, %lt3A_67 : i32
      %convert_element_type3A_69 = arith.extui %lt3A_68 : i1 to i32
      %cond3A_70 = arith.constant 0 : i32
      %cond3A_71 = arith.cmpi ne, %convert_element_type3A_69, %cond3A_70 : i32
      scf.if %cond3A_71 {
        %dma_start3A_183 = arith.constant 0 : i32
        %dma_start3A_184 = tpu.memref_slice %arg7[%sub3A_63, %dma_start3A_183] : memref<80x128xi32, #tpu.memory_space<vmem>> -> memref<1x128xi32, #tpu.memory_space<vmem>>
        %dma_start3A_185 = tpu.memref_squeeze %dma_start3A_184 : memref<1x128xi32, #tpu.memory_space<vmem>> -> memref<128xi32, #tpu.memory_space<vmem>>
        %dma_start3A_186 = arith.constant 0 : i32
        %dma_start3A_187 = arith.constant 0 : i32
        %dma_start3A_188 = tpu.memref_slice %arg14[%dma_start3A_186, %dma_start3A_187] : memref<10240x32xf32, #tpu.memory_space<vmem_shared>> -> memref<10240x32xf32, #tpu.memory_space<vmem_shared>>
        tpu.enqueue_indirect_dma source(%dma_start3A_188 : memref<10240x32xf32, #tpu.memory_space<vmem_shared>>) target(%arg12 : memref<128x32xf32, #tpu.memory_space<vmem>>) offsets(%dma_start3A_185 : memref<128xi32, #tpu.memory_space<vmem>>) semaphore(%arg18 : memref<!tpu.dma_semaphore, #tpu.memory_space<semaphore_mem>>)
      } else {
      }
      %dma_wait3A_72 = arith.constant 0 : i32
      %dma_wait3A_73 = tpu.memref_slice %arg7[%add3A_60, %dma_wait3A_72] : memref<80x128xi32, #tpu.memory_space<vmem>> -> memref<1x128xi32, #tpu.memory_space<vmem>>
      %dma_wait3A_74 = tpu.memref_squeeze %dma_wait3A_73 : memref<1x128xi32, #tpu.memory_space<vmem>> -> memref<128xi32, #tpu.memory_space<vmem>>
      %dma_wait3A_75 = arith.constant 0 : i32
      %dma_wait3A_76 = arith.constant 0 : i32
      %dma_wait3A_77 = tpu.memref_slice %arg14[%dma_wait3A_75, %dma_wait3A_76] : memref<10240x32xf32, #tpu.memory_space<vmem_shared>> -> memref<10240x32xf32, #tpu.memory_space<vmem_shared>>
      tpu.wait_indirect_dma semaphore(%arg15 : memref<!tpu.dma_semaphore, #tpu.memory_space<semaphore_mem>>) src(%dma_wait3A_77 : memref<10240x32xf32, #tpu.memory_space<vmem_shared>>) dst(%arg9 : memref<128x32xf32, #tpu.memory_space<vmem>>)
      %dma_start3A_78 = arith.constant 0 : i32
      %dma_start3A_79 = tpu.memref_slice %arg8[%add3A_60, %dma_start3A_78] : memref<80x128xi32, #tpu.memory_space<vmem>> -> memref<1x128xi32, #tpu.memory_space<vmem>>
      %dma_start3A_80 = tpu.memref_squeeze %dma_start3A_79 : memref<1x128xi32, #tpu.memory_space<vmem>> -> memref<128xi32, #tpu.memory_space<vmem>>
      %dma_start3A_81 = arith.constant 0 : i32
      %dma_start3A_82 = arith.constant 0 : i32
      %dma_start3A_83 = tpu.memref_slice %arg13[%dma_start3A_81, %dma_start3A_82] : memref<10240x32xf32, #tpu.memory_space<vmem_shared>> -> memref<10240x32xf32, #tpu.memory_space<vmem_shared>>
      tpu.enqueue_indirect_dma source(%arg9 : memref<128x32xf32, #tpu.memory_space<vmem>>) target(%dma_start3A_83 : memref<10240x32xf32, #tpu.memory_space<vmem_shared>>) offsets(%dma_start3A_80 : memref<128xi32, #tpu.memory_space<vmem>>) semaphore(%arg19 : memref<!tpu.dma_semaphore, #tpu.memory_space<semaphore_mem>>) {add = true}
      %mul3A_84 = arith.constant 4 : i32
      %mul3A_85 = arith.muli %scan3A_56, %mul3A_84 : i32
      %add3A_86 = arith.constant 1 : i32
      %add3A_87 = arith.addi %mul3A_85, %add3A_86 : i32
      %add3A_88 = arith.constant 4 : i32
      %add3A_89 = arith.addi %add3A_87, %add3A_88 : i32
      %sub3A_90 = arith.constant 1 : i32
      %sub3A_91 = arith.subi %add3A_89, %sub3A_90 : i32
      %lt3A_92 = arith.constant 80 : i32
      %lt3A_93 = arith.cmpi slt, %sub3A_91, %lt3A_92 : i32
      %ge3A_94 = arith.constant 1 : i32
      %ge3A_95 = arith.cmpi sge, %add3A_87, %ge3A_94 : i32
      %and3A_96 = arith.andi %lt3A_93, %ge3A_95 : i1
      %convert_element_type3A_97 = arith.extui %and3A_96 : i1 to i32
      %cond3A_98 = arith.constant 0 : i32
      %cond3A_99 = arith.cmpi ne, %convert_element_type3A_97, %cond3A_98 : i32
      scf.if %cond3A_99 {
        %sub3A_183 = arith.constant 1 : i32
        %sub3A_184 = arith.subi %add3A_87, %sub3A_183 : i32
        %dma_wait3A_185 = arith.constant 0 : i32
        %dma_wait3A_186 = tpu.memref_slice %arg8[%sub3A_184, %dma_wait3A_185] : memref<80x128xi32, #tpu.memory_space<vmem>> -> memref<1x128xi32, #tpu.memory_space<vmem>>
        %dma_wait3A_187 = tpu.memref_squeeze %dma_wait3A_186 : memref<1x128xi32, #tpu.memory_space<vmem>> -> memref<128xi32, #tpu.memory_space<vmem>>
        %dma_wait3A_188 = arith.constant 0 : i32
        %dma_wait3A_189 = arith.constant 0 : i32
        %dma_wait3A_190 = tpu.memref_slice %arg13[%dma_wait3A_188, %dma_wait3A_189] : memref<10240x32xf32, #tpu.memory_space<vmem_shared>> -> memref<10240x32xf32, #tpu.memory_space<vmem_shared>>
        tpu.wait_indirect_dma semaphore(%arg19 : memref<!tpu.dma_semaphore, #tpu.memory_space<semaphore_mem>>) src(%arg9 : memref<128x32xf32, #tpu.memory_space<vmem>>) dst(%dma_wait3A_190 : memref<10240x32xf32, #tpu.memory_space<vmem_shared>>)
      } else {
      }
      %lt3A_100 = arith.constant 80 : i32
      %lt3A_101 = arith.cmpi slt, %sub3A_91, %lt3A_100 : i32
      %convert_element_type3A_102 = arith.extui %lt3A_101 : i1 to i32
      %cond3A_103 = arith.constant 0 : i32
      %cond3A_104 = arith.cmpi ne, %convert_element_type3A_102, %cond3A_103 : i32
      scf.if %cond3A_104 {
        %dma_start3A_183 = arith.constant 0 : i32
        %dma_start3A_184 = tpu.memref_slice %arg7[%sub3A_91, %dma_start3A_183] : memref<80x128xi32, #tpu.memory_space<vmem>> -> memref<1x128xi32, #tpu.memory_space<vmem>>
        %dma_start3A_185 = tpu.memref_squeeze %dma_start3A_184 : memref<1x128xi32, #tpu.memory_space<vmem>> -> memref<128xi32, #tpu.memory_space<vmem>>
        %dma_start3A_186 = arith.constant 0 : i32
        %dma_start3A_187 = arith.constant 0 : i32
        %dma_start3A_188 = tpu.memref_slice %arg14[%dma_start3A_186, %dma_start3A_187] : memref<10240x32xf32, #tpu.memory_space<vmem_shared>> -> memref<10240x32xf32, #tpu.memory_space<vmem_shared>>
        tpu.enqueue_indirect_dma source(%dma_start3A_188 : memref<10240x32xf32, #tpu.memory_space<vmem_shared>>) target(%arg9 : memref<128x32xf32, #tpu.memory_space<vmem>>) offsets(%dma_start3A_185 : memref<128xi32, #tpu.memory_space<vmem>>) semaphore(%arg15 : memref<!tpu.dma_semaphore, #tpu.memory_space<semaphore_mem>>)
      } else {
      }
      %dma_wait3A_105 = arith.constant 0 : i32
      %dma_wait3A_106 = tpu.memref_slice %arg7[%add3A_87, %dma_wait3A_105] : memref<80x128xi32, #tpu.memory_space<vmem>> -> memref<1x128xi32, #tpu.memory_space<vmem>>
      %dma_wait3A_107 = tpu.memref_squeeze %dma_wait3A_106 : memref<1x128xi32, #tpu.memory_space<vmem>> -> memref<128xi32, #tpu.memory_space<vmem>>
      %dma_wait3A_108 = arith.constant 0 : i32
      %dma_wait3A_109 = arith.constant 0 : i32
      %dma_wait3A_110 = tpu.memref_slice %arg14[%dma_wait3A_108, %dma_wait3A_109] : memref<10240x32xf32, #tpu.memory_space<vmem_shared>> -> memref<10240x32xf32, #tpu.memory_space<vmem_shared>>
      tpu.wait_indirect_dma semaphore(%arg16 : memref<!tpu.dma_semaphore, #tpu.memory_space<semaphore_mem>>) src(%dma_wait3A_110 : memref<10240x32xf32, #tpu.memory_space<vmem_shared>>) dst(%arg10 : memref<128x32xf32, #tpu.memory_space<vmem>>)
      %dma_start3A_111 = arith.constant 0 : i32
      %dma_start3A_112 = tpu.memref_slice %arg8[%add3A_87, %dma_start3A_111] : memref<80x128xi32, #tpu.memory_space<vmem>> -> memref<1x128xi32, #tpu.memory_space<vmem>>
      %dma_start3A_113 = tpu.memref_squeeze %dma_start3A_112 : memref<1x128xi32, #tpu.memory_space<vmem>> -> memref<128xi32, #tpu.memory_space<vmem>>
      %dma_start3A_114 = arith.constant 0 : i32
      %dma_start3A_115 = arith.constant 0 : i32
      %dma_start3A_116 = tpu.memref_slice %arg13[%dma_start3A_114, %dma_start3A_115] : memref<10240x32xf32, #tpu.memory_space<vmem_shared>> -> memref<10240x32xf32, #tpu.memory_space<vmem_shared>>
      tpu.enqueue_indirect_dma source(%arg10 : memref<128x32xf32, #tpu.memory_space<vmem>>) target(%dma_start3A_116 : memref<10240x32xf32, #tpu.memory_space<vmem_shared>>) offsets(%dma_start3A_113 : memref<128xi32, #tpu.memory_space<vmem>>) semaphore(%arg20 : memref<!tpu.dma_semaphore, #tpu.memory_space<semaphore_mem>>) {add = true}
      %mul3A_117 = arith.constant 4 : i32
      %mul3A_118 = arith.muli %scan3A_56, %mul3A_117 : i32
      %add3A_119 = arith.constant 2 : i32
      %add3A_120 = arith.addi %mul3A_118, %add3A_119 : i32
      %add3A_121 = arith.constant 4 : i32
      %add3A_122 = arith.addi %add3A_120, %add3A_121 : i32
      %sub3A_123 = arith.constant 1 : i32
      %sub3A_124 = arith.subi %add3A_122, %sub3A_123 : i32
      %lt3A_125 = arith.constant 80 : i32
      %lt3A_126 = arith.cmpi slt, %sub3A_124, %lt3A_125 : i32
      %ge3A_127 = arith.constant 1 : i32
      %ge3A_128 = arith.cmpi sge, %add3A_120, %ge3A_127 : i32
      %and3A_129 = arith.andi %lt3A_126, %ge3A_128 : i1
      %convert_element_type3A_130 = arith.extui %and3A_129 : i1 to i32
      %cond3A_131 = arith.constant 0 : i32
      %cond3A_132 = arith.cmpi ne, %convert_element_type3A_130, %cond3A_131 : i32
      scf.if %cond3A_132 {
        %sub3A_183 = arith.constant 1 : i32
        %sub3A_184 = arith.subi %add3A_120, %sub3A_183 : i32
        %dma_wait3A_185 = arith.constant 0 : i32
        %dma_wait3A_186 = tpu.memref_slice %arg8[%sub3A_184, %dma_wait3A_185] : memref<80x128xi32, #tpu.memory_space<vmem>> -> memref<1x128xi32, #tpu.memory_space<vmem>>
        %dma_wait3A_187 = tpu.memref_squeeze %dma_wait3A_186 : memref<1x128xi32, #tpu.memory_space<vmem>> -> memref<128xi32, #tpu.memory_space<vmem>>
        %dma_wait3A_188 = arith.constant 0 : i32
        %dma_wait3A_189 = arith.constant 0 : i32
        %dma_wait3A_190 = tpu.memref_slice %arg13[%dma_wait3A_188, %dma_wait3A_189] : memref<10240x32xf32, #tpu.memory_space<vmem_shared>> -> memref<10240x32xf32, #tpu.memory_space<vmem_shared>>
        tpu.wait_indirect_dma semaphore(%arg20 : memref<!tpu.dma_semaphore, #tpu.memory_space<semaphore_mem>>) src(%arg10 : memref<128x32xf32, #tpu.memory_space<vmem>>) dst(%dma_wait3A_190 : memref<10240x32xf32, #tpu.memory_space<vmem_shared>>)
      } else {
      }
      %lt3A_133 = arith.constant 80 : i32
      %lt3A_134 = arith.cmpi slt, %sub3A_124, %lt3A_133 : i32
      %convert_element_type3A_135 = arith.extui %lt3A_134 : i1 to i32
      %cond3A_136 = arith.constant 0 : i32
      %cond3A_137 = arith.cmpi ne, %convert_element_type3A_135, %cond3A_136 : i32
      scf.if %cond3A_137 {
        %dma_start3A_183 = arith.constant 0 : i32
        %dma_start3A_184 = tpu.memref_slice %arg7[%sub3A_124, %dma_start3A_183] : memref<80x128xi32, #tpu.memory_space<vmem>> -> memref<1x128xi32, #tpu.memory_space<vmem>>
        %dma_start3A_185 = tpu.memref_squeeze %dma_start3A_184 : memref<1x128xi32, #tpu.memory_space<vmem>> -> memref<128xi32, #tpu.memory_space<vmem>>
        %dma_start3A_186 = arith.constant 0 : i32
        %dma_start3A_187 = arith.constant 0 : i32
        %dma_start3A_188 = tpu.memref_slice %arg14[%dma_start3A_186, %dma_start3A_187] : memref<10240x32xf32, #tpu.memory_space<vmem_shared>> -> memref<10240x32xf32, #tpu.memory_space<vmem_shared>>
        tpu.enqueue_indirect_dma source(%dma_start3A_188 : memref<10240x32xf32, #tpu.memory_space<vmem_shared>>) target(%arg10 : memref<128x32xf32, #tpu.memory_space<vmem>>) offsets(%dma_start3A_185 : memref<128xi32, #tpu.memory_space<vmem>>) semaphore(%arg16 : memref<!tpu.dma_semaphore, #tpu.memory_space<semaphore_mem>>)
      } else {
      }
      %dma_wait3A_138 = arith.constant 0 : i32
      %dma_wait3A_139 = tpu.memref_slice %arg7[%add3A_120, %dma_wait3A_138] : memref<80x128xi32, #tpu.memory_space<vmem>> -> memref<1x128xi32, #tpu.memory_space<vmem>>
      %dma_wait3A_140 = tpu.memref_squeeze %dma_wait3A_139 : memref<1x128xi32, #tpu.memory_space<vmem>> -> memref<128xi32, #tpu.memory_space<vmem>>
      %dma_wait3A_141 = arith.constant 0 : i32
      %dma_wait3A_142 = arith.constant 0 : i32
      %dma_wait3A_143 = tpu.memref_slice %arg14[%dma_wait3A_141, %dma_wait3A_142] : memref<10240x32xf32, #tpu.memory_space<vmem_shared>> -> memref<10240x32xf32, #tpu.memory_space<vmem_shared>>
      tpu.wait_indirect_dma semaphore(%arg17 : memref<!tpu.dma_semaphore, #tpu.memory_space<semaphore_mem>>) src(%dma_wait3A_143 : memref<10240x32xf32, #tpu.memory_space<vmem_shared>>) dst(%arg11 : memref<128x32xf32, #tpu.memory_space<vmem>>)
      %dma_start3A_144 = arith.constant 0 : i32
      %dma_start3A_145 = tpu.memref_slice %arg8[%add3A_120, %dma_start3A_144] : memref<80x128xi32, #tpu.memory_space<vmem>> -> memref<1x128xi32, #tpu.memory_space<vmem>>
      %dma_start3A_146 = tpu.memref_squeeze %dma_start3A_145 : memref<1x128xi32, #tpu.memory_space<vmem>> -> memref<128xi32, #tpu.memory_space<vmem>>
      %dma_start3A_147 = arith.constant 0 : i32
      %dma_start3A_148 = arith.constant 0 : i32
      %dma_start3A_149 = tpu.memref_slice %arg13[%dma_start3A_147, %dma_start3A_148] : memref<10240x32xf32, #tpu.memory_space<vmem_shared>> -> memref<10240x32xf32, #tpu.memory_space<vmem_shared>>
      tpu.enqueue_indirect_dma source(%arg11 : memref<128x32xf32, #tpu.memory_space<vmem>>) target(%dma_start3A_149 : memref<10240x32xf32, #tpu.memory_space<vmem_shared>>) offsets(%dma_start3A_146 : memref<128xi32, #tpu.memory_space<vmem>>) semaphore(%arg21 : memref<!tpu.dma_semaphore, #tpu.memory_space<semaphore_mem>>) {add = true}
      %mul3A_150 = arith.constant 4 : i32
      %mul3A_151 = arith.muli %scan3A_56, %mul3A_150 : i32
      %add3A_152 = arith.constant 3 : i32
      %add3A_153 = arith.addi %mul3A_151, %add3A_152 : i32
      %add3A_154 = arith.constant 4 : i32
      %add3A_155 = arith.addi %add3A_153, %add3A_154 : i32
      %sub3A_156 = arith.constant 1 : i32
      %sub3A_157 = arith.subi %add3A_155, %sub3A_156 : i32
      %lt3A_158 = arith.constant 80 : i32
      %lt3A_159 = arith.cmpi slt, %sub3A_157, %lt3A_158 : i32
      %ge3A_160 = arith.constant 1 : i32
      %ge3A_161 = arith.cmpi sge, %add3A_153, %ge3A_160 : i32
      %and3A_162 = arith.andi %lt3A_159, %ge3A_161 : i1
      %convert_element_type3A_163 = arith.extui %and3A_162 : i1 to i32
      %cond3A_164 = arith.constant 0 : i32
      %cond3A_165 = arith.cmpi ne, %convert_element_type3A_163, %cond3A_164 : i32
      scf.if %cond3A_165 {
        %sub3A_183 = arith.constant 1 : i32
        %sub3A_184 = arith.subi %add3A_153, %sub3A_183 : i32
        %dma_wait3A_185 = arith.constant 0 : i32
        %dma_wait3A_186 = tpu.memref_slice %arg8[%sub3A_184, %dma_wait3A_185] : memref<80x128xi32, #tpu.memory_space<vmem>> -> memref<1x128xi32, #tpu.memory_space<vmem>>
        %dma_wait3A_187 = tpu.memref_squeeze %dma_wait3A_186 : memref<1x128xi32, #tpu.memory_space<vmem>> -> memref<128xi32, #tpu.memory_space<vmem>>
        %dma_wait3A_188 = arith.constant 0 : i32
        %dma_wait3A_189 = arith.constant 0 : i32
        %dma_wait3A_190 = tpu.memref_slice %arg13[%dma_wait3A_188, %dma_wait3A_189] : memref<10240x32xf32, #tpu.memory_space<vmem_shared>> -> memref<10240x32xf32, #tpu.memory_space<vmem_shared>>
        tpu.wait_indirect_dma semaphore(%arg21 : memref<!tpu.dma_semaphore, #tpu.memory_space<semaphore_mem>>) src(%arg11 : memref<128x32xf32, #tpu.memory_space<vmem>>) dst(%dma_wait3A_190 : memref<10240x32xf32, #tpu.memory_space<vmem_shared>>)
      } else {
      }
      %lt3A_166 = arith.constant 80 : i32
      %lt3A_167 = arith.cmpi slt, %sub3A_157, %lt3A_166 : i32
      %convert_element_type3A_168 = arith.extui %lt3A_167 : i1 to i32
      %cond3A_169 = arith.constant 0 : i32
      %cond3A_170 = arith.cmpi ne, %convert_element_type3A_168, %cond3A_169 : i32
      scf.if %cond3A_170 {
        %dma_start3A_183 = arith.constant 0 : i32
        %dma_start3A_184 = tpu.memref_slice %arg7[%sub3A_157, %dma_start3A_183] : memref<80x128xi32, #tpu.memory_space<vmem>> -> memref<1x128xi32, #tpu.memory_space<vmem>>
        %dma_start3A_185 = tpu.memref_squeeze %dma_start3A_184 : memref<1x128xi32, #tpu.memory_space<vmem>> -> memref<128xi32, #tpu.memory_space<vmem>>
        %dma_start3A_186 = arith.constant 0 : i32
        %dma_start3A_187 = arith.constant 0 : i32
        %dma_start3A_188 = tpu.memref_slice %arg14[%dma_start3A_186, %dma_start3A_187] : memref<10240x32xf32, #tpu.memory_space<vmem_shared>> -> memref<10240x32xf32, #tpu.memory_space<vmem_shared>>
        tpu.enqueue_indirect_dma source(%dma_start3A_188 : memref<10240x32xf32, #tpu.memory_space<vmem_shared>>) target(%arg11 : memref<128x32xf32, #tpu.memory_space<vmem>>) offsets(%dma_start3A_185 : memref<128xi32, #tpu.memory_space<vmem>>) semaphore(%arg17 : memref<!tpu.dma_semaphore, #tpu.memory_space<semaphore_mem>>)
      } else {
      }
      %dma_wait3A_171 = arith.constant 0 : i32
      %dma_wait3A_172 = tpu.memref_slice %arg7[%add3A_153, %dma_wait3A_171] : memref<80x128xi32, #tpu.memory_space<vmem>> -> memref<1x128xi32, #tpu.memory_space<vmem>>
      %dma_wait3A_173 = tpu.memref_squeeze %dma_wait3A_172 : memref<1x128xi32, #tpu.memory_space<vmem>> -> memref<128xi32, #tpu.memory_space<vmem>>
      %dma_wait3A_174 = arith.constant 0 : i32
      %dma_wait3A_175 = arith.constant 0 : i32
      %dma_wait3A_176 = tpu.memref_slice %arg14[%dma_wait3A_174, %dma_wait3A_175] : memref<10240x32xf32, #tpu.memory_space<vmem_shared>> -> memref<10240x32xf32, #tpu.memory_space<vmem_shared>>
      tpu.wait_indirect_dma semaphore(%arg18 : memref<!tpu.dma_semaphore, #tpu.memory_space<semaphore_mem>>) src(%dma_wait3A_176 : memref<10240x32xf32, #tpu.memory_space<vmem_shared>>) dst(%arg12 : memref<128x32xf32, #tpu.memory_space<vmem>>)
      %dma_start3A_177 = arith.constant 0 : i32
      %dma_start3A_178 = tpu.memref_slice %arg8[%add3A_153, %dma_start3A_177] : memref<80x128xi32, #tpu.memory_space<vmem>> -> memref<1x128xi32, #tpu.memory_space<vmem>>
      %dma_start3A_179 = tpu.memref_squeeze %dma_start3A_178 : memref<1x128xi32, #tpu.memory_space<vmem>> -> memref<128xi32, #tpu.memory_space<vmem>>
      %dma_start3A_180 = arith.constant 0 : i32
      %dma_start3A_181 = arith.constant 0 : i32
      %dma_start3A_182 = tpu.memref_slice %arg13[%dma_start3A_180, %dma_start3A_181] : memref<10240x32xf32, #tpu.memory_space<vmem_shared>> -> memref<10240x32xf32, #tpu.memory_space<vmem_shared>>
      tpu.enqueue_indirect_dma source(%arg12 : memref<128x32xf32, #tpu.memory_space<vmem>>) target(%dma_start3A_182 : memref<10240x32xf32, #tpu.memory_space<vmem_shared>>) offsets(%dma_start3A_179 : memref<128xi32, #tpu.memory_space<vmem>>) semaphore(%arg22 : memref<!tpu.dma_semaphore, #tpu.memory_space<semaphore_mem>>) {add = true}
    }
    %scan3A_27 = arith.constant 20 : i32
    %dma_wait3A = arith.constant 76 : i32
    %dma_wait3A_28 = arith.constant 0 : i32
    %dma_wait3A_29 = tpu.memref_slice %arg8[%dma_wait3A, %dma_wait3A_28] : memref<80x128xi32, #tpu.memory_space<vmem>> -> memref<1x128xi32, #tpu.memory_space<vmem>>
    %dma_wait3A_30 = tpu.memref_squeeze %dma_wait3A_29 : memref<1x128xi32, #tpu.memory_space<vmem>> -> memref<128xi32, #tpu.memory_space<vmem>>
    %dma_wait3A_31 = arith.constant 0 : i32
    %dma_wait3A_32 = arith.constant 0 : i32
    %dma_wait3A_33 = tpu.memref_slice %arg13[%dma_wait3A_31, %dma_wait3A_32] : memref<10240x32xf32, #tpu.memory_space<vmem_shared>> -> memref<10240x32xf32, #tpu.memory_space<vmem_shared>>
    tpu.wait_indirect_dma semaphore(%arg19 : memref<!tpu.dma_semaphore, #tpu.memory_space<semaphore_mem>>) src(%arg9 : memref<128x32xf32, #tpu.memory_space<vmem>>) dst(%dma_wait3A_33 : memref<10240x32xf32, #tpu.memory_space<vmem_shared>>)
    %dma_wait3A_34 = arith.constant 77 : i32
    %dma_wait3A_35 = arith.constant 0 : i32
    %dma_wait3A_36 = tpu.memref_slice %arg8[%dma_wait3A_34, %dma_wait3A_35] : memref<80x128xi32, #tpu.memory_space<vmem>> -> memref<1x128xi32, #tpu.memory_space<vmem>>
    %dma_wait3A_37 = tpu.memref_squeeze %dma_wait3A_36 : memref<1x128xi32, #tpu.memory_space<vmem>> -> memref<128xi32, #tpu.memory_space<vmem>>
    %dma_wait3A_38 = arith.constant 0 : i32
    %dma_wait3A_39 = arith.constant 0 : i32
    %dma_wait3A_40 = tpu.memref_slice %arg13[%dma_wait3A_38, %dma_wait3A_39] : memref<10240x32xf32, #tpu.memory_space<vmem_shared>> -> memref<10240x32xf32, #tpu.memory_space<vmem_shared>>
    tpu.wait_indirect_dma semaphore(%arg20 : memref<!tpu.dma_semaphore, #tpu.memory_space<semaphore_mem>>) src(%arg10 : memref<128x32xf32, #tpu.memory_space<vmem>>) dst(%dma_wait3A_40 : memref<10240x32xf32, #tpu.memory_space<vmem_shared>>)
    %dma_wait3A_41 = arith.constant 78 : i32
    %dma_wait3A_42 = arith.constant 0 : i32
    %dma_wait3A_43 = tpu.memref_slice %arg8[%dma_wait3A_41, %dma_wait3A_42] : memref<80x128xi32, #tpu.memory_space<vmem>> -> memref<1x128xi32, #tpu.memory_space<vmem>>
    %dma_wait3A_44 = tpu.memref_squeeze %dma_wait3A_43 : memref<1x128xi32, #tpu.memory_space<vmem>> -> memref<128xi32, #tpu.memory_space<vmem>>
    %dma_wait3A_45 = arith.constant 0 : i32
    %dma_wait3A_46 = arith.constant 0 : i32
    %dma_wait3A_47 = tpu.memref_slice %arg13[%dma_wait3A_45, %dma_wait3A_46] : memref<10240x32xf32, #tpu.memory_space<vmem_shared>> -> memref<10240x32xf32, #tpu.memory_space<vmem_shared>>
    tpu.wait_indirect_dma semaphore(%arg21 : memref<!tpu.dma_semaphore, #tpu.memory_space<semaphore_mem>>) src(%arg11 : memref<128x32xf32, #tpu.memory_space<vmem>>) dst(%dma_wait3A_47 : memref<10240x32xf32, #tpu.memory_space<vmem_shared>>)
    %dma_wait3A_48 = arith.constant 79 : i32
    %dma_wait3A_49 = arith.constant 0 : i32
    %dma_wait3A_50 = tpu.memref_slice %arg8[%dma_wait3A_48, %dma_wait3A_49] : memref<80x128xi32, #tpu.memory_space<vmem>> -> memref<1x128xi32, #tpu.memory_space<vmem>>
    %dma_wait3A_51 = tpu.memref_squeeze %dma_wait3A_50 : memref<1x128xi32, #tpu.memory_space<vmem>> -> memref<128xi32, #tpu.memory_space<vmem>>
    %dma_wait3A_52 = arith.constant 0 : i32
    %dma_wait3A_53 = arith.constant 0 : i32
    %dma_wait3A_54 = tpu.memref_slice %arg13[%dma_wait3A_52, %dma_wait3A_53] : memref<10240x32xf32, #tpu.memory_space<vmem_shared>> -> memref<10240x32xf32, #tpu.memory_space<vmem_shared>>
    tpu.wait_indirect_dma semaphore(%arg22 : memref<!tpu.dma_semaphore, #tpu.memory_space<semaphore_mem>>) src(%arg12 : memref<128x32xf32, #tpu.memory_space<vmem>>) dst(%dma_wait3A_54 : memref<10240x32xf32, #tpu.memory_space<vmem_shared>>)
    %barrier3A_55 = arith.constant 0 : index
    tpu.barrier barrier_id(%barrier3A_55)
    "tpu.region"() ({
      %run_scoped3A = tpu.sem_alloc : memref<!tpu.dma_semaphore, #tpu.memory_space<semaphore_mem>>
      %dma_start3A_56 = arith.constant 0 : i32
      %dma_start3A_57 = tpu.memref_slice %arg6[%arg0, %mul3A_2, %dma_start3A_56] : memref<2x10240x32xf32, #tpu.memory_space<hbm>> -> memref<1x640x32xf32, #tpu.memory_space<hbm>>
      %dma_start3A_58 = tpu.memref_squeeze %dma_start3A_57 : memref<1x640x32xf32, #tpu.memory_space<hbm>> -> memref<640x32xf32, #tpu.memory_space<hbm>>
      %dma_start3A_59 = arith.constant 0 : i32
      %dma_start3A_60 = tpu.memref_slice %arg13[%mul3A_2, %dma_start3A_59] : memref<10240x32xf32, #tpu.memory_space<vmem_shared>> -> memref<640x32xf32, #tpu.memory_space<vmem_shared>>
      tpu.enqueue_dma source(%dma_start3A_60 : memref<640x32xf32, #tpu.memory_space<vmem_shared>>) target(%dma_start3A_58 : memref<640x32xf32, #tpu.memory_space<hbm>>) target_semaphore(%run_scoped3A : memref<!tpu.dma_semaphore, #tpu.memory_space<semaphore_mem>>)
      %dma_wait3A_61 = arith.constant 0 : i32
      %dma_wait3A_62 = tpu.memref_slice %arg6[%arg0, %mul3A_2, %dma_wait3A_61] : memref<2x10240x32xf32, #tpu.memory_space<hbm>> -> memref<1x640x32xf32, #tpu.memory_space<hbm>>
      %dma_wait3A_63 = tpu.memref_squeeze %dma_wait3A_62 : memref<1x640x32xf32, #tpu.memory_space<hbm>> -> memref<640x32xf32, #tpu.memory_space<hbm>>
      %dma_wait3A_64 = arith.constant 0 : i32
      %dma_wait3A_65 = tpu.memref_slice %arg13[%mul3A_2, %dma_wait3A_64] : memref<10240x32xf32, #tpu.memory_space<vmem_shared>> -> memref<640x32xf32, #tpu.memory_space<vmem_shared>>
      tpu.wait_dma2 semaphore(%run_scoped3A : memref<!tpu.dma_semaphore, #tpu.memory_space<semaphore_mem>>) src(%dma_wait3A_65 : memref<640x32xf32, #tpu.memory_space<vmem_shared>>) dst(%dma_wait3A_63 : memref<640x32xf32, #tpu.memory_space<hbm>>)
      tpu.yield
    }) : () -> ()
    return
  }
}

#map = affine_map<(d0, d1) -> (0, 0)>
#map1 = affine_map<(d0, d1) -> (0, 0, 0)>
module attributes {stable_mosaic.version = 14 : i64} {
  func.func @agg_kernel(%arg0: i32, %arg1: i32, %arg2: memref<10240x32xf32, #tpu.memory_space<hbm>>, %arg3: memref<32x80x128xi32, #tpu.memory_space<hbm>>, %arg4: memref<32x80x128xi32, #tpu.memory_space<hbm>>, %arg5: memref<640x32xf32, #tpu.memory_space<hbm>>, %arg6: memref<2x10240x32xf32, #tpu.memory_space<hbm>>, %arg7: memref<80x128xi32, #tpu.memory_space<vmem>>, %arg8: memref<80x128xi32, #tpu.memory_space<vmem>>, %arg9: memref<128x32xf32, #tpu.memory_space<vmem>>, %arg10: memref<128x32xf32, #tpu.memory_space<vmem>>, %arg11: memref<128x32xf32, #tpu.memory_space<vmem>>, %arg12: memref<128x32xf32, #tpu.memory_space<vmem>>, %arg13: memref<10240x32xf32, #tpu.memory_space<vmem_shared>>, %arg14: memref<10240x32xf32, #tpu.memory_space<vmem_shared>>, %arg15: memref<!tpu.dma_semaphore, #tpu.memory_space<semaphore_mem>>, %arg16: memref<!tpu.dma_semaphore, #tpu.memory_space<semaphore_mem>>, %arg17: memref<!tpu.dma_semaphore, #tpu.memory_space<semaphore_mem>>, %arg18: memref<!tpu.dma_semaphore, #tpu.memory_space<semaphore_mem>>, %arg19: memref<!tpu.dma_semaphore, #tpu.memory_space<semaphore_mem>>, %arg20: memref<!tpu.dma_semaphore, #tpu.memory_space<semaphore_mem>>, %arg21: memref<!tpu.dma_semaphore, #tpu.memory_space<semaphore_mem>>, %arg22: memref<!tpu.dma_semaphore, #tpu.memory_space<semaphore_mem>>) attributes {dimension_semantics = [#tpu.dimension_semantics<core_parallel>, #tpu.dimension_semantics<subcore_parallel>], iteration_bounds = array<i64: 2, 16>, scalar_prefetch = 0 : i64, scratch_operands = 16 : i64, tpu.core_type = #tpu.core_type<sc_vector_subcore>, window_params = [{transform_indices = #map}, {transform_indices = #map1}, {transform_indices = #map1}, {transform_indices = #map}, {transform_indices = #map1}]} {
    %mul3A = arith.constant 16 : i32
    %mul3A_0 = arith.muli %arg0, %mul3A : i32
    %add3A = arith.addi %mul3A_0, %arg1 : i32
    %mul3A_1 = arith.constant 640 : i32
    %mul3A_2 = arith.muli %arg1, %mul3A_1 : i32
    "tpu.region"() ({
      %run_scoped3A = tpu.sem_alloc : memref<!tpu.dma_semaphore, #tpu.memory_space<semaphore_mem>>
      %dma_start3A_56 = arith.constant 0 : i32
      %dma_start3A_57 = tpu.memref_slice %arg14[%mul3A_2, %dma_start3A_56] : memref<10240x32xf32, #tpu.memory_space<vmem_shared>> -> memref<640x32xf32, #tpu.memory_space<vmem_shared>>
      %dma_start3A_58 = arith.constant 0 : i32
      %dma_start3A_59 = tpu.memref_slice %arg2[%mul3A_2, %dma_start3A_58] : memref<10240x32xf32, #tpu.memory_space<hbm>> -> memref<640x32xf32, #tpu.memory_space<hbm>>
      tpu.enqueue_dma source(%dma_start3A_59 : memref<640x32xf32, #tpu.memory_space<hbm>>) target(%dma_start3A_57 : memref<640x32xf32, #tpu.memory_space<vmem_shared>>) target_semaphore(%run_scoped3A : memref<!tpu.dma_semaphore, #tpu.memory_space<semaphore_mem>>)
      %dma_wait3A_60 = arith.constant 0 : i32
      %dma_wait3A_61 = tpu.memref_slice %arg14[%mul3A_2, %dma_wait3A_60] : memref<10240x32xf32, #tpu.memory_space<vmem_shared>> -> memref<640x32xf32, #tpu.memory_space<vmem_shared>>
      %dma_wait3A_62 = arith.constant 0 : i32
      %dma_wait3A_63 = tpu.memref_slice %arg2[%mul3A_2, %dma_wait3A_62] : memref<10240x32xf32, #tpu.memory_space<hbm>> -> memref<640x32xf32, #tpu.memory_space<hbm>>
      tpu.wait_dma2 semaphore(%run_scoped3A : memref<!tpu.dma_semaphore, #tpu.memory_space<semaphore_mem>>) src(%dma_wait3A_63 : memref<640x32xf32, #tpu.memory_space<hbm>>) dst(%dma_wait3A_61 : memref<640x32xf32, #tpu.memory_space<vmem_shared>>)
      tpu.yield
    }) : () -> ()
    "tpu.region"() ({
      %run_scoped3A = tpu.sem_alloc : memref<!tpu.dma_semaphore, #tpu.memory_space<semaphore_mem>>
      %dma_start3A_56 = arith.constant 0 : i32
      %dma_start3A_57 = tpu.memref_slice %arg13[%mul3A_2, %dma_start3A_56] : memref<10240x32xf32, #tpu.memory_space<vmem_shared>> -> memref<640x32xf32, #tpu.memory_space<vmem_shared>>
      tpu.enqueue_dma source(%arg5 : memref<640x32xf32, #tpu.memory_space<hbm>>) target(%dma_start3A_57 : memref<640x32xf32, #tpu.memory_space<vmem_shared>>) target_semaphore(%run_scoped3A : memref<!tpu.dma_semaphore, #tpu.memory_space<semaphore_mem>>)
      %dma_wait3A_58 = arith.constant 0 : i32
      %dma_wait3A_59 = tpu.memref_slice %arg13[%mul3A_2, %dma_wait3A_58] : memref<10240x32xf32, #tpu.memory_space<vmem_shared>> -> memref<640x32xf32, #tpu.memory_space<vmem_shared>>
      tpu.wait_dma2 semaphore(%run_scoped3A : memref<!tpu.dma_semaphore, #tpu.memory_space<semaphore_mem>>) src(%arg5 : memref<640x32xf32, #tpu.memory_space<hbm>>) dst(%dma_wait3A_59 : memref<640x32xf32, #tpu.memory_space<vmem_shared>>)
      tpu.yield
    }) : () -> ()
    "tpu.region"() ({
      %run_scoped3A = tpu.sem_alloc : memref<!tpu.dma_semaphore, #tpu.memory_space<semaphore_mem>>
      %dma_start3A_56 = arith.constant 0 : i32
      %dma_start3A_57 = arith.constant 0 : i32
      %dma_start3A_58 = tpu.memref_slice %arg3[%add3A, %dma_start3A_56, %dma_start3A_57] : memref<32x80x128xi32, #tpu.memory_space<hbm>> -> memref<1x80x128xi32, #tpu.memory_space<hbm>>
      %dma_start3A_59 = tpu.memref_squeeze %dma_start3A_58 : memref<1x80x128xi32, #tpu.memory_space<hbm>> -> memref<80x128xi32, #tpu.memory_space<hbm>>
      %dma_start3A_60 = arith.constant 0 : i32
      %dma_start3A_61 = arith.constant 0 : i32
      %dma_start3A_62 = tpu.memref_slice %arg3[%add3A, %dma_start3A_60, %dma_start3A_61] : memref<32x80x128xi32, #tpu.memory_space<hbm>> -> memref<1x80x128xi32, #tpu.memory_space<hbm>>
      %dma_start3A_63 = tpu.memref_squeeze %dma_start3A_62 : memref<1x80x128xi32, #tpu.memory_space<hbm>> -> memref<80x128xi32, #tpu.memory_space<hbm>>
      tpu.enqueue_dma source(%dma_start3A_63 : memref<80x128xi32, #tpu.memory_space<hbm>>) target(%arg7 : memref<80x128xi32, #tpu.memory_space<vmem>>) target_semaphore(%run_scoped3A : memref<!tpu.dma_semaphore, #tpu.memory_space<semaphore_mem>>)
      %dma_wait3A_64 = arith.constant 0 : i32
      %dma_wait3A_65 = arith.constant 0 : i32
      %dma_wait3A_66 = tpu.memref_slice %arg3[%add3A, %dma_wait3A_64, %dma_wait3A_65] : memref<32x80x128xi32, #tpu.memory_space<hbm>> -> memref<1x80x128xi32, #tpu.memory_space<hbm>>
      %dma_wait3A_67 = tpu.memref_squeeze %dma_wait3A_66 : memref<1x80x128xi32, #tpu.memory_space<hbm>> -> memref<80x128xi32, #tpu.memory_space<hbm>>
      %dma_wait3A_68 = arith.constant 0 : i32
      %dma_wait3A_69 = arith.constant 0 : i32
      %dma_wait3A_70 = tpu.memref_slice %arg3[%add3A, %dma_wait3A_68, %dma_wait3A_69] : memref<32x80x128xi32, #tpu.memory_space<hbm>> -> memref<1x80x128xi32, #tpu.memory_space<hbm>>
      %dma_wait3A_71 = tpu.memref_squeeze %dma_wait3A_70 : memref<1x80x128xi32, #tpu.memory_space<hbm>> -> memref<80x128xi32, #tpu.memory_space<hbm>>
      tpu.wait_dma2 semaphore(%run_scoped3A : memref<!tpu.dma_semaphore, #tpu.memory_space<semaphore_mem>>) src(%dma_wait3A_71 : memref<80x128xi32, #tpu.memory_space<hbm>>) dst(%arg7 : memref<80x128xi32, #tpu.memory_space<vmem>>)
      tpu.yield
    }) : () -> ()
    "tpu.region"() ({
      %run_scoped3A = tpu.sem_alloc : memref<!tpu.dma_semaphore, #tpu.memory_space<semaphore_mem>>
      %dma_start3A_56 = arith.constant 0 : i32
      %dma_start3A_57 = arith.constant 0 : i32
      %dma_start3A_58 = tpu.memref_slice %arg4[%add3A, %dma_start3A_56, %dma_start3A_57] : memref<32x80x128xi32, #tpu.memory_space<hbm>> -> memref<1x80x128xi32, #tpu.memory_space<hbm>>
      %dma_start3A_59 = tpu.memref_squeeze %dma_start3A_58 : memref<1x80x128xi32, #tpu.memory_space<hbm>> -> memref<80x128xi32, #tpu.memory_space<hbm>>
      %dma_start3A_60 = arith.constant 0 : i32
      %dma_start3A_61 = arith.constant 0 : i32
      %dma_start3A_62 = tpu.memref_slice %arg4[%add3A, %dma_start3A_60, %dma_start3A_61] : memref<32x80x128xi32, #tpu.memory_space<hbm>> -> memref<1x80x128xi32, #tpu.memory_space<hbm>>
      %dma_start3A_63 = tpu.memref_squeeze %dma_start3A_62 : memref<1x80x128xi32, #tpu.memory_space<hbm>> -> memref<80x128xi32, #tpu.memory_space<hbm>>
      tpu.enqueue_dma source(%dma_start3A_63 : memref<80x128xi32, #tpu.memory_space<hbm>>) target(%arg8 : memref<80x128xi32, #tpu.memory_space<vmem>>) target_semaphore(%run_scoped3A : memref<!tpu.dma_semaphore, #tpu.memory_space<semaphore_mem>>)
      %dma_wait3A_64 = arith.constant 0 : i32
      %dma_wait3A_65 = arith.constant 0 : i32
      %dma_wait3A_66 = tpu.memref_slice %arg4[%add3A, %dma_wait3A_64, %dma_wait3A_65] : memref<32x80x128xi32, #tpu.memory_space<hbm>> -> memref<1x80x128xi32, #tpu.memory_space<hbm>>
      %dma_wait3A_67 = tpu.memref_squeeze %dma_wait3A_66 : memref<1x80x128xi32, #tpu.memory_space<hbm>> -> memref<80x128xi32, #tpu.memory_space<hbm>>
      %dma_wait3A_68 = arith.constant 0 : i32
      %dma_wait3A_69 = arith.constant 0 : i32
      %dma_wait3A_70 = tpu.memref_slice %arg4[%add3A, %dma_wait3A_68, %dma_wait3A_69] : memref<32x80x128xi32, #tpu.memory_space<hbm>> -> memref<1x80x128xi32, #tpu.memory_space<hbm>>
      %dma_wait3A_71 = tpu.memref_squeeze %dma_wait3A_70 : memref<1x80x128xi32, #tpu.memory_space<hbm>> -> memref<80x128xi32, #tpu.memory_space<hbm>>
      tpu.wait_dma2 semaphore(%run_scoped3A : memref<!tpu.dma_semaphore, #tpu.memory_space<semaphore_mem>>) src(%dma_wait3A_71 : memref<80x128xi32, #tpu.memory_space<hbm>>) dst(%arg8 : memref<80x128xi32, #tpu.memory_space<vmem>>)
      tpu.yield
    }) : () -> ()
    %barrier3A = arith.constant 0 : index
    tpu.barrier barrier_id(%barrier3A)
    %dma_start3A = arith.constant 0 : i32
    %dma_start3A_3 = arith.constant 0 : i32
    %dma_start3A_4 = tpu.memref_slice %arg7[%dma_start3A, %dma_start3A_3] : memref<80x128xi32, #tpu.memory_space<vmem>> -> memref<1x128xi32, #tpu.memory_space<vmem>>
    %dma_start3A_5 = tpu.memref_squeeze %dma_start3A_4 : memref<1x128xi32, #tpu.memory_space<vmem>> -> memref<128xi32, #tpu.memory_space<vmem>>
    %dma_start3A_6 = arith.constant 0 : i32
    %dma_start3A_7 = arith.constant 0 : i32
    %dma_start3A_8 = tpu.memref_slice %arg14[%dma_start3A_6, %dma_start3A_7] : memref<10240x32xf32, #tpu.memory_space<vmem_shared>> -> memref<10240x32xf32, #tpu.memory_space<vmem_shared>>
    tpu.enqueue_indirect_dma source(%dma_start3A_8 : memref<10240x32xf32, #tpu.memory_space<vmem_shared>>) target(%arg9 : memref<128x32xf32, #tpu.memory_space<vmem>>) offsets(%dma_start3A_5 : memref<128xi32, #tpu.memory_space<vmem>>) semaphore(%arg15 : memref<!tpu.dma_semaphore, #tpu.memory_space<semaphore_mem>>)
    %dma_start3A_9 = arith.constant 1 : i32
    %dma_start3A_10 = arith.constant 0 : i32
    %dma_start3A_11 = tpu.memref_slice %arg7[%dma_start3A_9, %dma_start3A_10] : memref<80x128xi32, #tpu.memory_space<vmem>> -> memref<1x128xi32, #tpu.memory_space<vmem>>
    %dma_start3A_12 = tpu.memref_squeeze %dma_start3A_11 : memref<1x128xi32, #tpu.memory_space<vmem>> -> memref<128xi32, #tpu.memory_space<vmem>>
    %dma_start3A_13 = arith.constant 0 : i32
    %dma_start3A_14 = arith.constant 0 : i32
    %dma_start3A_15 = tpu.memref_slice %arg14[%dma_start3A_13, %dma_start3A_14] : memref<10240x32xf32, #tpu.memory_space<vmem_shared>> -> memref<10240x32xf32, #tpu.memory_space<vmem_shared>>
    tpu.enqueue_indirect_dma source(%dma_start3A_15 : memref<10240x32xf32, #tpu.memory_space<vmem_shared>>) target(%arg10 : memref<128x32xf32, #tpu.memory_space<vmem>>) offsets(%dma_start3A_12 : memref<128xi32, #tpu.memory_space<vmem>>) semaphore(%arg16 : memref<!tpu.dma_semaphore, #tpu.memory_space<semaphore_mem>>)
    %dma_start3A_16 = arith.constant 2 : i32
    %dma_start3A_17 = arith.constant 0 : i32
    %dma_start3A_18 = tpu.memref_slice %arg7[%dma_start3A_16, %dma_start3A_17] : memref<80x128xi32, #tpu.memory_space<vmem>> -> memref<1x128xi32, #tpu.memory_space<vmem>>
    %dma_start3A_19 = tpu.memref_squeeze %dma_start3A_18 : memref<1x128xi32, #tpu.memory_space<vmem>> -> memref<128xi32, #tpu.memory_space<vmem>>
    %dma_start3A_20 = arith.constant 0 : i32
    %dma_start3A_21 = arith.constant 0 : i32
    %dma_start3A_22 = tpu.memref_slice %arg14[%dma_start3A_20, %dma_start3A_21] : memref<10240x32xf32, #tpu.memory_space<vmem_shared>> -> memref<10240x32xf32, #tpu.memory_space<vmem_shared>>
    tpu.enqueue_indirect_dma source(%dma_start3A_22 : memref<10240x32xf32, #tpu.memory_space<vmem_shared>>) target(%arg11 : memref<128x32xf32, #tpu.memory_space<vmem>>) offsets(%dma_start3A_19 : memref<128xi32, #tpu.memory_space<vmem>>) semaphore(%arg17 : memref<!tpu.dma_semaphore, #tpu.memory_space<semaphore_mem>>)
    %scan3A = arith.constant 0 : i32
    %scan3A_23 = arith.constant 0 : i32
    %scan3A_24 = arith.constant 20 : i32
    %scan3A_25 = arith.addi %scan3A_23, %scan3A_24 : i32
    %scan3A_26 = arith.constant 1 : i32
    scf.for %scan3A_56 = %scan3A_23 to %scan3A_25 step %scan3A_26  : i32 {
      %mul3A_57 = arith.constant 4 : i32
      %mul3A_58 = arith.muli %scan3A_56, %mul3A_57 : i32
      %add3A_59 = arith.constant 0 : i32
      %add3A_60 = arith.addi %mul3A_58, %add3A_59 : i32
      %add3A_61 = arith.constant 4 : i32
      %add3A_62 = arith.addi %add3A_60, %add3A_61 : i32
      %sub3A = arith.constant 1 : i32
      %sub3A_63 = arith.subi %add3A_62, %sub3A : i32
      %lt3A = arith.constant 80 : i32
      %lt3A_64 = arith.cmpi slt, %sub3A_63, %lt3A : i32
      %ge3A = arith.constant 1 : i32
      %ge3A_65 = arith.cmpi sge, %add3A_60, %ge3A : i32
      %and3A = arith.andi %lt3A_64, %ge3A_65 : i1
      %convert_element_type3A = arith.extui %and3A : i1 to i32
      %cond3A = arith.constant 0 : i32
      %cond3A_66 = arith.cmpi ne, %convert_element_type3A, %cond3A : i32
      scf.if %cond3A_66 {
        %sub3A_183 = arith.constant 1 : i32
        %sub3A_184 = arith.subi %add3A_60, %sub3A_183 : i32
        %dma_wait3A_185 = arith.constant 0 : i32
        %dma_wait3A_186 = tpu.memref_slice %arg8[%sub3A_184, %dma_wait3A_185] : memref<80x128xi32, #tpu.memory_space<vmem>> -> memref<1x128xi32, #tpu.memory_space<vmem>>
        %dma_wait3A_187 = tpu.memref_squeeze %dma_wait3A_186 : memref<1x128xi32, #tpu.memory_space<vmem>> -> memref<128xi32, #tpu.memory_space<vmem>>
        %dma_wait3A_188 = arith.constant 0 : i32
        %dma_wait3A_189 = arith.constant 0 : i32
        %dma_wait3A_190 = tpu.memref_slice %arg13[%dma_wait3A_188, %dma_wait3A_189] : memref<10240x32xf32, #tpu.memory_space<vmem_shared>> -> memref<10240x32xf32, #tpu.memory_space<vmem_shared>>
        tpu.wait_indirect_dma semaphore(%arg22 : memref<!tpu.dma_semaphore, #tpu.memory_space<semaphore_mem>>) src(%arg12 : memref<128x32xf32, #tpu.memory_space<vmem>>) dst(%dma_wait3A_190 : memref<10240x32xf32, #tpu.memory_space<vmem_shared>>)
      } else {
      }
      %lt3A_67 = arith.constant 80 : i32
      %lt3A_68 = arith.cmpi slt, %sub3A_63, %lt3A_67 : i32
      %convert_element_type3A_69 = arith.extui %lt3A_68 : i1 to i32
      %cond3A_70 = arith.constant 0 : i32
      %cond3A_71 = arith.cmpi ne, %convert_element_type3A_69, %cond3A_70 : i32
      scf.if %cond3A_71 {
        %dma_start3A_183 = arith.constant 0 : i32
        %dma_start3A_184 = tpu.memref_slice %arg7[%sub3A_63, %dma_start3A_183] : memref<80x128xi32, #tpu.memory_space<vmem>> -> memref<1x128xi32, #tpu.memory_space<vmem>>
        %dma_start3A_185 = tpu.memref_squeeze %dma_start3A_184 : memref<1x128xi32, #tpu.memory_space<vmem>> -> memref<128xi32, #tpu.memory_space<vmem>>
        %dma_start3A_186 = arith.constant 0 : i32
        %dma_start3A_187 = arith.constant 0 : i32
        %dma_start3A_188 = tpu.memref_slice %arg14[%dma_start3A_186, %dma_start3A_187] : memref<10240x32xf32, #tpu.memory_space<vmem_shared>> -> memref<10240x32xf32, #tpu.memory_space<vmem_shared>>
        tpu.enqueue_indirect_dma source(%dma_start3A_188 : memref<10240x32xf32, #tpu.memory_space<vmem_shared>>) target(%arg12 : memref<128x32xf32, #tpu.memory_space<vmem>>) offsets(%dma_start3A_185 : memref<128xi32, #tpu.memory_space<vmem>>) semaphore(%arg18 : memref<!tpu.dma_semaphore, #tpu.memory_space<semaphore_mem>>)
      } else {
      }
      %dma_wait3A_72 = arith.constant 0 : i32
      %dma_wait3A_73 = tpu.memref_slice %arg7[%add3A_60, %dma_wait3A_72] : memref<80x128xi32, #tpu.memory_space<vmem>> -> memref<1x128xi32, #tpu.memory_space<vmem>>
      %dma_wait3A_74 = tpu.memref_squeeze %dma_wait3A_73 : memref<1x128xi32, #tpu.memory_space<vmem>> -> memref<128xi32, #tpu.memory_space<vmem>>
      %dma_wait3A_75 = arith.constant 0 : i32
      %dma_wait3A_76 = arith.constant 0 : i32
      %dma_wait3A_77 = tpu.memref_slice %arg14[%dma_wait3A_75, %dma_wait3A_76] : memref<10240x32xf32, #tpu.memory_space<vmem_shared>> -> memref<10240x32xf32, #tpu.memory_space<vmem_shared>>
      tpu.wait_indirect_dma semaphore(%arg15 : memref<!tpu.dma_semaphore, #tpu.memory_space<semaphore_mem>>) src(%dma_wait3A_77 : memref<10240x32xf32, #tpu.memory_space<vmem_shared>>) dst(%arg9 : memref<128x32xf32, #tpu.memory_space<vmem>>)
      %dma_start3A_78 = arith.constant 0 : i32
      %dma_start3A_79 = tpu.memref_slice %arg8[%add3A_60, %dma_start3A_78] : memref<80x128xi32, #tpu.memory_space<vmem>> -> memref<1x128xi32, #tpu.memory_space<vmem>>
      %dma_start3A_80 = tpu.memref_squeeze %dma_start3A_79 : memref<1x128xi32, #tpu.memory_space<vmem>> -> memref<128xi32, #tpu.memory_space<vmem>>
      %dma_start3A_81 = arith.constant 0 : i32
      %dma_start3A_82 = arith.constant 0 : i32
      %dma_start3A_83 = tpu.memref_slice %arg13[%dma_start3A_81, %dma_start3A_82] : memref<10240x32xf32, #tpu.memory_space<vmem_shared>> -> memref<10240x32xf32, #tpu.memory_space<vmem_shared>>
      tpu.enqueue_indirect_dma source(%arg9 : memref<128x32xf32, #tpu.memory_space<vmem>>) target(%dma_start3A_83 : memref<10240x32xf32, #tpu.memory_space<vmem_shared>>) offsets(%dma_start3A_80 : memref<128xi32, #tpu.memory_space<vmem>>) semaphore(%arg19 : memref<!tpu.dma_semaphore, #tpu.memory_space<semaphore_mem>>) {add = true}
      %mul3A_84 = arith.constant 4 : i32
      %mul3A_85 = arith.muli %scan3A_56, %mul3A_84 : i32
      %add3A_86 = arith.constant 1 : i32
      %add3A_87 = arith.addi %mul3A_85, %add3A_86 : i32
      %add3A_88 = arith.constant 4 : i32
      %add3A_89 = arith.addi %add3A_87, %add3A_88 : i32
      %sub3A_90 = arith.constant 1 : i32
      %sub3A_91 = arith.subi %add3A_89, %sub3A_90 : i32
      %lt3A_92 = arith.constant 80 : i32
      %lt3A_93 = arith.cmpi slt, %sub3A_91, %lt3A_92 : i32
      %ge3A_94 = arith.constant 1 : i32
      %ge3A_95 = arith.cmpi sge, %add3A_87, %ge3A_94 : i32
      %and3A_96 = arith.andi %lt3A_93, %ge3A_95 : i1
      %convert_element_type3A_97 = arith.extui %and3A_96 : i1 to i32
      %cond3A_98 = arith.constant 0 : i32
      %cond3A_99 = arith.cmpi ne, %convert_element_type3A_97, %cond3A_98 : i32
      scf.if %cond3A_99 {
        %sub3A_183 = arith.constant 1 : i32
        %sub3A_184 = arith.subi %add3A_87, %sub3A_183 : i32
        %dma_wait3A_185 = arith.constant 0 : i32
        %dma_wait3A_186 = tpu.memref_slice %arg8[%sub3A_184, %dma_wait3A_185] : memref<80x128xi32, #tpu.memory_space<vmem>> -> memref<1x128xi32, #tpu.memory_space<vmem>>
        %dma_wait3A_187 = tpu.memref_squeeze %dma_wait3A_186 : memref<1x128xi32, #tpu.memory_space<vmem>> -> memref<128xi32, #tpu.memory_space<vmem>>
        %dma_wait3A_188 = arith.constant 0 : i32
        %dma_wait3A_189 = arith.constant 0 : i32
        %dma_wait3A_190 = tpu.memref_slice %arg13[%dma_wait3A_188, %dma_wait3A_189] : memref<10240x32xf32, #tpu.memory_space<vmem_shared>> -> memref<10240x32xf32, #tpu.memory_space<vmem_shared>>
        tpu.wait_indirect_dma semaphore(%arg19 : memref<!tpu.dma_semaphore, #tpu.memory_space<semaphore_mem>>) src(%arg9 : memref<128x32xf32, #tpu.memory_space<vmem>>) dst(%dma_wait3A_190 : memref<10240x32xf32, #tpu.memory_space<vmem_shared>>)
      } else {
      }
      %lt3A_100 = arith.constant 80 : i32
      %lt3A_101 = arith.cmpi slt, %sub3A_91, %lt3A_100 : i32
      %convert_element_type3A_102 = arith.extui %lt3A_101 : i1 to i32
      %cond3A_103 = arith.constant 0 : i32
      %cond3A_104 = arith.cmpi ne, %convert_element_type3A_102, %cond3A_103 : i32
      scf.if %cond3A_104 {
        %dma_start3A_183 = arith.constant 0 : i32
        %dma_start3A_184 = tpu.memref_slice %arg7[%sub3A_91, %dma_start3A_183] : memref<80x128xi32, #tpu.memory_space<vmem>> -> memref<1x128xi32, #tpu.memory_space<vmem>>
        %dma_start3A_185 = tpu.memref_squeeze %dma_start3A_184 : memref<1x128xi32, #tpu.memory_space<vmem>> -> memref<128xi32, #tpu.memory_space<vmem>>
        %dma_start3A_186 = arith.constant 0 : i32
        %dma_start3A_187 = arith.constant 0 : i32
        %dma_start3A_188 = tpu.memref_slice %arg14[%dma_start3A_186, %dma_start3A_187] : memref<10240x32xf32, #tpu.memory_space<vmem_shared>> -> memref<10240x32xf32, #tpu.memory_space<vmem_shared>>
        tpu.enqueue_indirect_dma source(%dma_start3A_188 : memref<10240x32xf32, #tpu.memory_space<vmem_shared>>) target(%arg9 : memref<128x32xf32, #tpu.memory_space<vmem>>) offsets(%dma_start3A_185 : memref<128xi32, #tpu.memory_space<vmem>>) semaphore(%arg15 : memref<!tpu.dma_semaphore, #tpu.memory_space<semaphore_mem>>)
      } else {
      }
      %dma_wait3A_105 = arith.constant 0 : i32
      %dma_wait3A_106 = tpu.memref_slice %arg7[%add3A_87, %dma_wait3A_105] : memref<80x128xi32, #tpu.memory_space<vmem>> -> memref<1x128xi32, #tpu.memory_space<vmem>>
      %dma_wait3A_107 = tpu.memref_squeeze %dma_wait3A_106 : memref<1x128xi32, #tpu.memory_space<vmem>> -> memref<128xi32, #tpu.memory_space<vmem>>
      %dma_wait3A_108 = arith.constant 0 : i32
      %dma_wait3A_109 = arith.constant 0 : i32
      %dma_wait3A_110 = tpu.memref_slice %arg14[%dma_wait3A_108, %dma_wait3A_109] : memref<10240x32xf32, #tpu.memory_space<vmem_shared>> -> memref<10240x32xf32, #tpu.memory_space<vmem_shared>>
      tpu.wait_indirect_dma semaphore(%arg16 : memref<!tpu.dma_semaphore, #tpu.memory_space<semaphore_mem>>) src(%dma_wait3A_110 : memref<10240x32xf32, #tpu.memory_space<vmem_shared>>) dst(%arg10 : memref<128x32xf32, #tpu.memory_space<vmem>>)
      %dma_start3A_111 = arith.constant 0 : i32
      %dma_start3A_112 = tpu.memref_slice %arg8[%add3A_87, %dma_start3A_111] : memref<80x128xi32, #tpu.memory_space<vmem>> -> memref<1x128xi32, #tpu.memory_space<vmem>>
      %dma_start3A_113 = tpu.memref_squeeze %dma_start3A_112 : memref<1x128xi32, #tpu.memory_space<vmem>> -> memref<128xi32, #tpu.memory_space<vmem>>
      %dma_start3A_114 = arith.constant 0 : i32
      %dma_start3A_115 = arith.constant 0 : i32
      %dma_start3A_116 = tpu.memref_slice %arg13[%dma_start3A_114, %dma_start3A_115] : memref<10240x32xf32, #tpu.memory_space<vmem_shared>> -> memref<10240x32xf32, #tpu.memory_space<vmem_shared>>
      tpu.enqueue_indirect_dma source(%arg10 : memref<128x32xf32, #tpu.memory_space<vmem>>) target(%dma_start3A_116 : memref<10240x32xf32, #tpu.memory_space<vmem_shared>>) offsets(%dma_start3A_113 : memref<128xi32, #tpu.memory_space<vmem>>) semaphore(%arg20 : memref<!tpu.dma_semaphore, #tpu.memory_space<semaphore_mem>>) {add = true}
      %mul3A_117 = arith.constant 4 : i32
      %mul3A_118 = arith.muli %scan3A_56, %mul3A_117 : i32
      %add3A_119 = arith.constant 2 : i32
      %add3A_120 = arith.addi %mul3A_118, %add3A_119 : i32
      %add3A_121 = arith.constant 4 : i32
      %add3A_122 = arith.addi %add3A_120, %add3A_121 : i32
      %sub3A_123 = arith.constant 1 : i32
      %sub3A_124 = arith.subi %add3A_122, %sub3A_123 : i32
      %lt3A_125 = arith.constant 80 : i32
      %lt3A_126 = arith.cmpi slt, %sub3A_124, %lt3A_125 : i32
      %ge3A_127 = arith.constant 1 : i32
      %ge3A_128 = arith.cmpi sge, %add3A_120, %ge3A_127 : i32
      %and3A_129 = arith.andi %lt3A_126, %ge3A_128 : i1
      %convert_element_type3A_130 = arith.extui %and3A_129 : i1 to i32
      %cond3A_131 = arith.constant 0 : i32
      %cond3A_132 = arith.cmpi ne, %convert_element_type3A_130, %cond3A_131 : i32
      scf.if %cond3A_132 {
        %sub3A_183 = arith.constant 1 : i32
        %sub3A_184 = arith.subi %add3A_120, %sub3A_183 : i32
        %dma_wait3A_185 = arith.constant 0 : i32
        %dma_wait3A_186 = tpu.memref_slice %arg8[%sub3A_184, %dma_wait3A_185] : memref<80x128xi32, #tpu.memory_space<vmem>> -> memref<1x128xi32, #tpu.memory_space<vmem>>
        %dma_wait3A_187 = tpu.memref_squeeze %dma_wait3A_186 : memref<1x128xi32, #tpu.memory_space<vmem>> -> memref<128xi32, #tpu.memory_space<vmem>>
        %dma_wait3A_188 = arith.constant 0 : i32
        %dma_wait3A_189 = arith.constant 0 : i32
        %dma_wait3A_190 = tpu.memref_slice %arg13[%dma_wait3A_188, %dma_wait3A_189] : memref<10240x32xf32, #tpu.memory_space<vmem_shared>> -> memref<10240x32xf32, #tpu.memory_space<vmem_shared>>
        tpu.wait_indirect_dma semaphore(%arg20 : memref<!tpu.dma_semaphore, #tpu.memory_space<semaphore_mem>>) src(%arg10 : memref<128x32xf32, #tpu.memory_space<vmem>>) dst(%dma_wait3A_190 : memref<10240x32xf32, #tpu.memory_space<vmem_shared>>)
      } else {
      }
      %lt3A_133 = arith.constant 80 : i32
      %lt3A_134 = arith.cmpi slt, %sub3A_124, %lt3A_133 : i32
      %convert_element_type3A_135 = arith.extui %lt3A_134 : i1 to i32
      %cond3A_136 = arith.constant 0 : i32
      %cond3A_137 = arith.cmpi ne, %convert_element_type3A_135, %cond3A_136 : i32
      scf.if %cond3A_137 {
        %dma_start3A_183 = arith.constant 0 : i32
        %dma_start3A_184 = tpu.memref_slice %arg7[%sub3A_124, %dma_start3A_183] : memref<80x128xi32, #tpu.memory_space<vmem>> -> memref<1x128xi32, #tpu.memory_space<vmem>>
        %dma_start3A_185 = tpu.memref_squeeze %dma_start3A_184 : memref<1x128xi32, #tpu.memory_space<vmem>> -> memref<128xi32, #tpu.memory_space<vmem>>
        %dma_start3A_186 = arith.constant 0 : i32
        %dma_start3A_187 = arith.constant 0 : i32
        %dma_start3A_188 = tpu.memref_slice %arg14[%dma_start3A_186, %dma_start3A_187] : memref<10240x32xf32, #tpu.memory_space<vmem_shared>> -> memref<10240x32xf32, #tpu.memory_space<vmem_shared>>
        tpu.enqueue_indirect_dma source(%dma_start3A_188 : memref<10240x32xf32, #tpu.memory_space<vmem_shared>>) target(%arg10 : memref<128x32xf32, #tpu.memory_space<vmem>>) offsets(%dma_start3A_185 : memref<128xi32, #tpu.memory_space<vmem>>) semaphore(%arg16 : memref<!tpu.dma_semaphore, #tpu.memory_space<semaphore_mem>>)
      } else {
      }
      %dma_wait3A_138 = arith.constant 0 : i32
      %dma_wait3A_139 = tpu.memref_slice %arg7[%add3A_120, %dma_wait3A_138] : memref<80x128xi32, #tpu.memory_space<vmem>> -> memref<1x128xi32, #tpu.memory_space<vmem>>
      %dma_wait3A_140 = tpu.memref_squeeze %dma_wait3A_139 : memref<1x128xi32, #tpu.memory_space<vmem>> -> memref<128xi32, #tpu.memory_space<vmem>>
      %dma_wait3A_141 = arith.constant 0 : i32
      %dma_wait3A_142 = arith.constant 0 : i32
      %dma_wait3A_143 = tpu.memref_slice %arg14[%dma_wait3A_141, %dma_wait3A_142] : memref<10240x32xf32, #tpu.memory_space<vmem_shared>> -> memref<10240x32xf32, #tpu.memory_space<vmem_shared>>
      tpu.wait_indirect_dma semaphore(%arg17 : memref<!tpu.dma_semaphore, #tpu.memory_space<semaphore_mem>>) src(%dma_wait3A_143 : memref<10240x32xf32, #tpu.memory_space<vmem_shared>>) dst(%arg11 : memref<128x32xf32, #tpu.memory_space<vmem>>)
      %dma_start3A_144 = arith.constant 0 : i32
      %dma_start3A_145 = tpu.memref_slice %arg8[%add3A_120, %dma_start3A_144] : memref<80x128xi32, #tpu.memory_space<vmem>> -> memref<1x128xi32, #tpu.memory_space<vmem>>
      %dma_start3A_146 = tpu.memref_squeeze %dma_start3A_145 : memref<1x128xi32, #tpu.memory_space<vmem>> -> memref<128xi32, #tpu.memory_space<vmem>>
      %dma_start3A_147 = arith.constant 0 : i32
      %dma_start3A_148 = arith.constant 0 : i32
      %dma_start3A_149 = tpu.memref_slice %arg13[%dma_start3A_147, %dma_start3A_148] : memref<10240x32xf32, #tpu.memory_space<vmem_shared>> -> memref<10240x32xf32, #tpu.memory_space<vmem_shared>>
      tpu.enqueue_indirect_dma source(%arg11 : memref<128x32xf32, #tpu.memory_space<vmem>>) target(%dma_start3A_149 : memref<10240x32xf32, #tpu.memory_space<vmem_shared>>) offsets(%dma_start3A_146 : memref<128xi32, #tpu.memory_space<vmem>>) semaphore(%arg21 : memref<!tpu.dma_semaphore, #tpu.memory_space<semaphore_mem>>) {add = true}
      %mul3A_150 = arith.constant 4 : i32
      %mul3A_151 = arith.muli %scan3A_56, %mul3A_150 : i32
      %add3A_152 = arith.constant 3 : i32
      %add3A_153 = arith.addi %mul3A_151, %add3A_152 : i32
      %add3A_154 = arith.constant 4 : i32
      %add3A_155 = arith.addi %add3A_153, %add3A_154 : i32
      %sub3A_156 = arith.constant 1 : i32
      %sub3A_157 = arith.subi %add3A_155, %sub3A_156 : i32
      %lt3A_158 = arith.constant 80 : i32
      %lt3A_159 = arith.cmpi slt, %sub3A_157, %lt3A_158 : i32
      %ge3A_160 = arith.constant 1 : i32
      %ge3A_161 = arith.cmpi sge, %add3A_153, %ge3A_160 : i32
      %and3A_162 = arith.andi %lt3A_159, %ge3A_161 : i1
      %convert_element_type3A_163 = arith.extui %and3A_162 : i1 to i32
      %cond3A_164 = arith.constant 0 : i32
      %cond3A_165 = arith.cmpi ne, %convert_element_type3A_163, %cond3A_164 : i32
      scf.if %cond3A_165 {
        %sub3A_183 = arith.constant 1 : i32
        %sub3A_184 = arith.subi %add3A_153, %sub3A_183 : i32
        %dma_wait3A_185 = arith.constant 0 : i32
        %dma_wait3A_186 = tpu.memref_slice %arg8[%sub3A_184, %dma_wait3A_185] : memref<80x128xi32, #tpu.memory_space<vmem>> -> memref<1x128xi32, #tpu.memory_space<vmem>>
        %dma_wait3A_187 = tpu.memref_squeeze %dma_wait3A_186 : memref<1x128xi32, #tpu.memory_space<vmem>> -> memref<128xi32, #tpu.memory_space<vmem>>
        %dma_wait3A_188 = arith.constant 0 : i32
        %dma_wait3A_189 = arith.constant 0 : i32
        %dma_wait3A_190 = tpu.memref_slice %arg13[%dma_wait3A_188, %dma_wait3A_189] : memref<10240x32xf32, #tpu.memory_space<vmem_shared>> -> memref<10240x32xf32, #tpu.memory_space<vmem_shared>>
        tpu.wait_indirect_dma semaphore(%arg21 : memref<!tpu.dma_semaphore, #tpu.memory_space<semaphore_mem>>) src(%arg11 : memref<128x32xf32, #tpu.memory_space<vmem>>) dst(%dma_wait3A_190 : memref<10240x32xf32, #tpu.memory_space<vmem_shared>>)
      } else {
      }
      %lt3A_166 = arith.constant 80 : i32
      %lt3A_167 = arith.cmpi slt, %sub3A_157, %lt3A_166 : i32
      %convert_element_type3A_168 = arith.extui %lt3A_167 : i1 to i32
      %cond3A_169 = arith.constant 0 : i32
      %cond3A_170 = arith.cmpi ne, %convert_element_type3A_168, %cond3A_169 : i32
      scf.if %cond3A_170 {
        %dma_start3A_183 = arith.constant 0 : i32
        %dma_start3A_184 = tpu.memref_slice %arg7[%sub3A_157, %dma_start3A_183] : memref<80x128xi32, #tpu.memory_space<vmem>> -> memref<1x128xi32, #tpu.memory_space<vmem>>
        %dma_start3A_185 = tpu.memref_squeeze %dma_start3A_184 : memref<1x128xi32, #tpu.memory_space<vmem>> -> memref<128xi32, #tpu.memory_space<vmem>>
        %dma_start3A_186 = arith.constant 0 : i32
        %dma_start3A_187 = arith.constant 0 : i32
        %dma_start3A_188 = tpu.memref_slice %arg14[%dma_start3A_186, %dma_start3A_187] : memref<10240x32xf32, #tpu.memory_space<vmem_shared>> -> memref<10240x32xf32, #tpu.memory_space<vmem_shared>>
        tpu.enqueue_indirect_dma source(%dma_start3A_188 : memref<10240x32xf32, #tpu.memory_space<vmem_shared>>) target(%arg11 : memref<128x32xf32, #tpu.memory_space<vmem>>) offsets(%dma_start3A_185 : memref<128xi32, #tpu.memory_space<vmem>>) semaphore(%arg17 : memref<!tpu.dma_semaphore, #tpu.memory_space<semaphore_mem>>)
      } else {
      }
      %dma_wait3A_171 = arith.constant 0 : i32
      %dma_wait3A_172 = tpu.memref_slice %arg7[%add3A_153, %dma_wait3A_171] : memref<80x128xi32, #tpu.memory_space<vmem>> -> memref<1x128xi32, #tpu.memory_space<vmem>>
      %dma_wait3A_173 = tpu.memref_squeeze %dma_wait3A_172 : memref<1x128xi32, #tpu.memory_space<vmem>> -> memref<128xi32, #tpu.memory_space<vmem>>
      %dma_wait3A_174 = arith.constant 0 : i32
      %dma_wait3A_175 = arith.constant 0 : i32
      %dma_wait3A_176 = tpu.memref_slice %arg14[%dma_wait3A_174, %dma_wait3A_175] : memref<10240x32xf32, #tpu.memory_space<vmem_shared>> -> memref<10240x32xf32, #tpu.memory_space<vmem_shared>>
      tpu.wait_indirect_dma semaphore(%arg18 : memref<!tpu.dma_semaphore, #tpu.memory_space<semaphore_mem>>) src(%dma_wait3A_176 : memref<10240x32xf32, #tpu.memory_space<vmem_shared>>) dst(%arg12 : memref<128x32xf32, #tpu.memory_space<vmem>>)
      %dma_start3A_177 = arith.constant 0 : i32
      %dma_start3A_178 = tpu.memref_slice %arg8[%add3A_153, %dma_start3A_177] : memref<80x128xi32, #tpu.memory_space<vmem>> -> memref<1x128xi32, #tpu.memory_space<vmem>>
      %dma_start3A_179 = tpu.memref_squeeze %dma_start3A_178 : memref<1x128xi32, #tpu.memory_space<vmem>> -> memref<128xi32, #tpu.memory_space<vmem>>
      %dma_start3A_180 = arith.constant 0 : i32
      %dma_start3A_181 = arith.constant 0 : i32
      %dma_start3A_182 = tpu.memref_slice %arg13[%dma_start3A_180, %dma_start3A_181] : memref<10240x32xf32, #tpu.memory_space<vmem_shared>> -> memref<10240x32xf32, #tpu.memory_space<vmem_shared>>
      tpu.enqueue_indirect_dma source(%arg12 : memref<128x32xf32, #tpu.memory_space<vmem>>) target(%dma_start3A_182 : memref<10240x32xf32, #tpu.memory_space<vmem_shared>>) offsets(%dma_start3A_179 : memref<128xi32, #tpu.memory_space<vmem>>) semaphore(%arg22 : memref<!tpu.dma_semaphore, #tpu.memory_space<semaphore_mem>>) {add = true}
    }
    %scan3A_27 = arith.constant 20 : i32
    %dma_wait3A = arith.constant 76 : i32
    %dma_wait3A_28 = arith.constant 0 : i32
    %dma_wait3A_29 = tpu.memref_slice %arg8[%dma_wait3A, %dma_wait3A_28] : memref<80x128xi32, #tpu.memory_space<vmem>> -> memref<1x128xi32, #tpu.memory_space<vmem>>
    %dma_wait3A_30 = tpu.memref_squeeze %dma_wait3A_29 : memref<1x128xi32, #tpu.memory_space<vmem>> -> memref<128xi32, #tpu.memory_space<vmem>>
    %dma_wait3A_31 = arith.constant 0 : i32
    %dma_wait3A_32 = arith.constant 0 : i32
    %dma_wait3A_33 = tpu.memref_slice %arg13[%dma_wait3A_31, %dma_wait3A_32] : memref<10240x32xf32, #tpu.memory_space<vmem_shared>> -> memref<10240x32xf32, #tpu.memory_space<vmem_shared>>
    tpu.wait_indirect_dma semaphore(%arg19 : memref<!tpu.dma_semaphore, #tpu.memory_space<semaphore_mem>>) src(%arg9 : memref<128x32xf32, #tpu.memory_space<vmem>>) dst(%dma_wait3A_33 : memref<10240x32xf32, #tpu.memory_space<vmem_shared>>)
    %dma_wait3A_34 = arith.constant 77 : i32
    %dma_wait3A_35 = arith.constant 0 : i32
    %dma_wait3A_36 = tpu.memref_slice %arg8[%dma_wait3A_34, %dma_wait3A_35] : memref<80x128xi32, #tpu.memory_space<vmem>> -> memref<1x128xi32, #tpu.memory_space<vmem>>
    %dma_wait3A_37 = tpu.memref_squeeze %dma_wait3A_36 : memref<1x128xi32, #tpu.memory_space<vmem>> -> memref<128xi32, #tpu.memory_space<vmem>>
    %dma_wait3A_38 = arith.constant 0 : i32
    %dma_wait3A_39 = arith.constant 0 : i32
    %dma_wait3A_40 = tpu.memref_slice %arg13[%dma_wait3A_38, %dma_wait3A_39] : memref<10240x32xf32, #tpu.memory_space<vmem_shared>> -> memref<10240x32xf32, #tpu.memory_space<vmem_shared>>
    tpu.wait_indirect_dma semaphore(%arg20 : memref<!tpu.dma_semaphore, #tpu.memory_space<semaphore_mem>>) src(%arg10 : memref<128x32xf32, #tpu.memory_space<vmem>>) dst(%dma_wait3A_40 : memref<10240x32xf32, #tpu.memory_space<vmem_shared>>)
    %dma_wait3A_41 = arith.constant 78 : i32
    %dma_wait3A_42 = arith.constant 0 : i32
    %dma_wait3A_43 = tpu.memref_slice %arg8[%dma_wait3A_41, %dma_wait3A_42] : memref<80x128xi32, #tpu.memory_space<vmem>> -> memref<1x128xi32, #tpu.memory_space<vmem>>
    %dma_wait3A_44 = tpu.memref_squeeze %dma_wait3A_43 : memref<1x128xi32, #tpu.memory_space<vmem>> -> memref<128xi32, #tpu.memory_space<vmem>>
    %dma_wait3A_45 = arith.constant 0 : i32
    %dma_wait3A_46 = arith.constant 0 : i32
    %dma_wait3A_47 = tpu.memref_slice %arg13[%dma_wait3A_45, %dma_wait3A_46] : memref<10240x32xf32, #tpu.memory_space<vmem_shared>> -> memref<10240x32xf32, #tpu.memory_space<vmem_shared>>
    tpu.wait_indirect_dma semaphore(%arg21 : memref<!tpu.dma_semaphore, #tpu.memory_space<semaphore_mem>>) src(%arg11 : memref<128x32xf32, #tpu.memory_space<vmem>>) dst(%dma_wait3A_47 : memref<10240x32xf32, #tpu.memory_space<vmem_shared>>)
    %dma_wait3A_48 = arith.constant 79 : i32
    %dma_wait3A_49 = arith.constant 0 : i32
    %dma_wait3A_50 = tpu.memref_slice %arg8[%dma_wait3A_48, %dma_wait3A_49] : memref<80x128xi32, #tpu.memory_space<vmem>> -> memref<1x128xi32, #tpu.memory_space<vmem>>
    %dma_wait3A_51 = tpu.memref_squeeze %dma_wait3A_50 : memref<1x128xi32, #tpu.memory_space<vmem>> -> memref<128xi32, #tpu.memory_space<vmem>>
    %dma_wait3A_52 = arith.constant 0 : i32
    %dma_wait3A_53 = arith.constant 0 : i32
    %dma_wait3A_54 = tpu.memref_slice %arg13[%dma_wait3A_52, %dma_wait3A_53] : memref<10240x32xf32, #tpu.memory_space<vmem_shared>> -> memref<10240x32xf32, #tpu.memory_space<vmem_shared>>
    tpu.wait_indirect_dma semaphore(%arg22 : memref<!tpu.dma_semaphore, #tpu.memory_space<semaphore_mem>>) src(%arg12 : memref<128x32xf32, #tpu.memory_space<vmem>>) dst(%dma_wait3A_54 : memref<10240x32xf32, #tpu.memory_space<vmem_shared>>)
    %barrier3A_55 = arith.constant 0 : index
    tpu.barrier barrier_id(%barrier3A_55)
    "tpu.region"() ({
      %run_scoped3A = tpu.sem_alloc : memref<!tpu.dma_semaphore, #tpu.memory_space<semaphore_mem>>
      %dma_start3A_56 = arith.constant 0 : i32
      %dma_start3A_57 = tpu.memref_slice %arg6[%arg0, %mul3A_2, %dma_start3A_56] : memref<2x10240x32xf32, #tpu.memory_space<hbm>> -> memref<1x640x32xf32, #tpu.memory_space<hbm>>
      %dma_start3A_58 = tpu.memref_squeeze %dma_start3A_57 : memref<1x640x32xf32, #tpu.memory_space<hbm>> -> memref<640x32xf32, #tpu.memory_space<hbm>>
      %dma_start3A_59 = arith.constant 0 : i32
      %dma_start3A_60 = tpu.memref_slice %arg13[%mul3A_2, %dma_start3A_59] : memref<10240x32xf32, #tpu.memory_space<vmem_shared>> -> memref<640x32xf32, #tpu.memory_space<vmem_shared>>
      tpu.enqueue_dma source(%dma_start3A_60 : memref<640x32xf32, #tpu.memory_space<vmem_shared>>) target(%dma_start3A_58 : memref<640x32xf32, #tpu.memory_space<hbm>>) target_semaphore(%run_scoped3A : memref<!tpu.dma_semaphore, #tpu.memory_space<semaphore_mem>>)
      %dma_wait3A_61 = arith.constant 0 : i32
      %dma_wait3A_62 = tpu.memref_slice %arg6[%arg0, %mul3A_2, %dma_wait3A_61] : memref<2x10240x32xf32, #tpu.memory_space<hbm>> -> memref<1x640x32xf32, #tpu.memory_space<hbm>>
      %dma_wait3A_63 = tpu.memref_squeeze %dma_wait3A_62 : memref<1x640x32xf32, #tpu.memory_space<hbm>> -> memref<640x32xf32, #tpu.memory_space<hbm>>
      %dma_wait3A_64 = arith.constant 0 : i32
      %dma_wait3A_65 = tpu.memref_slice %arg13[%mul3A_2, %dma_wait3A_64] : memref<10240x32xf32, #tpu.memory_space<vmem_shared>> -> memref<640x32xf32, #tpu.memory_space<vmem_shared>>
      tpu.wait_dma2 semaphore(%run_scoped3A : memref<!tpu.dma_semaphore, #tpu.memory_space<semaphore_mem>>) src(%dma_wait3A_65 : memref<640x32xf32, #tpu.memory_space<vmem_shared>>) dst(%dma_wait3A_63 : memref<640x32xf32, #tpu.memory_space<hbm>>)
      tpu.yield
    }) : () -> ()
    return
  }
}

#map = affine_map<(d0, d1) -> (0, 0, 0)>
#map1 = affine_map<(d0, d1) -> (0, 0)>
module attributes {stable_mosaic.version = 14 : i64} {
  func.func @deg_kernel(%arg0: i32, %arg1: i32, %arg2: memref<32x80x128xi32, #tpu.memory_space<hbm>>, %arg3: memref<128x8xf32, #tpu.memory_space<hbm>>, %arg4: memref<640x8xf32, #tpu.memory_space<hbm>>, %arg5: memref<2x10240x8xf32, #tpu.memory_space<hbm>>, %arg6: memref<80x128xi32, #tpu.memory_space<vmem>>, %arg7: memref<128x8xf32, #tpu.memory_space<vmem>>, %arg8: memref<10240x8xf32, #tpu.memory_space<vmem_shared>>) attributes {dimension_semantics = [#tpu.dimension_semantics<core_parallel>, #tpu.dimension_semantics<subcore_parallel>], iteration_bounds = array<i64: 2, 16>, scalar_prefetch = 0 : i64, scratch_operands = 3 : i64, tpu.core_type = #tpu.core_type<sc_vector_subcore>, window_params = [{transform_indices = #map}, {transform_indices = #map1}, {transform_indices = #map1}, {transform_indices = #map}]} {
    %mul3A = arith.constant 16 : i32
    %mul3A_0 = arith.muli %arg0, %mul3A : i32
    %add3A = arith.addi %mul3A_0, %arg1 : i32
    %mul3A_1 = arith.constant 640 : i32
    %mul3A_2 = arith.muli %arg1, %mul3A_1 : i32
    "tpu.region"() ({
      %run_scoped3A = tpu.sem_alloc : memref<!tpu.dma_semaphore, #tpu.memory_space<semaphore_mem>>
      %dma_start3A = arith.constant 0 : i32
      %dma_start3A_9 = tpu.memref_slice %arg8[%mul3A_2, %dma_start3A] : memref<10240x8xf32, #tpu.memory_space<vmem_shared>> -> memref<640x8xf32, #tpu.memory_space<vmem_shared>>
      tpu.enqueue_dma source(%arg4 : memref<640x8xf32, #tpu.memory_space<hbm>>) target(%dma_start3A_9 : memref<640x8xf32, #tpu.memory_space<vmem_shared>>) target_semaphore(%run_scoped3A : memref<!tpu.dma_semaphore, #tpu.memory_space<semaphore_mem>>)
      %dma_wait3A = arith.constant 0 : i32
      %dma_wait3A_10 = tpu.memref_slice %arg8[%mul3A_2, %dma_wait3A] : memref<10240x8xf32, #tpu.memory_space<vmem_shared>> -> memref<640x8xf32, #tpu.memory_space<vmem_shared>>
      tpu.wait_dma2 semaphore(%run_scoped3A : memref<!tpu.dma_semaphore, #tpu.memory_space<semaphore_mem>>) src(%arg4 : memref<640x8xf32, #tpu.memory_space<hbm>>) dst(%dma_wait3A_10 : memref<640x8xf32, #tpu.memory_space<vmem_shared>>)
      tpu.yield
    }) : () -> ()
    "tpu.region"() ({
      %run_scoped3A = tpu.sem_alloc : memref<!tpu.dma_semaphore, #tpu.memory_space<semaphore_mem>>
      %dma_start3A = arith.constant 0 : i32
      %dma_start3A_9 = arith.constant 0 : i32
      %dma_start3A_10 = tpu.memref_slice %arg2[%add3A, %dma_start3A, %dma_start3A_9] : memref<32x80x128xi32, #tpu.memory_space<hbm>> -> memref<1x80x128xi32, #tpu.memory_space<hbm>>
      %dma_start3A_11 = tpu.memref_squeeze %dma_start3A_10 : memref<1x80x128xi32, #tpu.memory_space<hbm>> -> memref<80x128xi32, #tpu.memory_space<hbm>>
      %dma_start3A_12 = arith.constant 0 : i32
      %dma_start3A_13 = arith.constant 0 : i32
      %dma_start3A_14 = tpu.memref_slice %arg2[%add3A, %dma_start3A_12, %dma_start3A_13] : memref<32x80x128xi32, #tpu.memory_space<hbm>> -> memref<1x80x128xi32, #tpu.memory_space<hbm>>
      %dma_start3A_15 = tpu.memref_squeeze %dma_start3A_14 : memref<1x80x128xi32, #tpu.memory_space<hbm>> -> memref<80x128xi32, #tpu.memory_space<hbm>>
      tpu.enqueue_dma source(%dma_start3A_15 : memref<80x128xi32, #tpu.memory_space<hbm>>) target(%arg6 : memref<80x128xi32, #tpu.memory_space<vmem>>) target_semaphore(%run_scoped3A : memref<!tpu.dma_semaphore, #tpu.memory_space<semaphore_mem>>)
      %dma_wait3A = arith.constant 0 : i32
      %dma_wait3A_16 = arith.constant 0 : i32
      %dma_wait3A_17 = tpu.memref_slice %arg2[%add3A, %dma_wait3A, %dma_wait3A_16] : memref<32x80x128xi32, #tpu.memory_space<hbm>> -> memref<1x80x128xi32, #tpu.memory_space<hbm>>
      %dma_wait3A_18 = tpu.memref_squeeze %dma_wait3A_17 : memref<1x80x128xi32, #tpu.memory_space<hbm>> -> memref<80x128xi32, #tpu.memory_space<hbm>>
      %dma_wait3A_19 = arith.constant 0 : i32
      %dma_wait3A_20 = arith.constant 0 : i32
      %dma_wait3A_21 = tpu.memref_slice %arg2[%add3A, %dma_wait3A_19, %dma_wait3A_20] : memref<32x80x128xi32, #tpu.memory_space<hbm>> -> memref<1x80x128xi32, #tpu.memory_space<hbm>>
      %dma_wait3A_22 = tpu.memref_squeeze %dma_wait3A_21 : memref<1x80x128xi32, #tpu.memory_space<hbm>> -> memref<80x128xi32, #tpu.memory_space<hbm>>
      tpu.wait_dma2 semaphore(%run_scoped3A : memref<!tpu.dma_semaphore, #tpu.memory_space<semaphore_mem>>) src(%dma_wait3A_22 : memref<80x128xi32, #tpu.memory_space<hbm>>) dst(%arg6 : memref<80x128xi32, #tpu.memory_space<vmem>>)
      tpu.yield
    }) : () -> ()
    "tpu.region"() ({
      %run_scoped3A = tpu.sem_alloc : memref<!tpu.dma_semaphore, #tpu.memory_space<semaphore_mem>>
      tpu.enqueue_dma source(%arg3 : memref<128x8xf32, #tpu.memory_space<hbm>>) target(%arg7 : memref<128x8xf32, #tpu.memory_space<vmem>>) target_semaphore(%run_scoped3A : memref<!tpu.dma_semaphore, #tpu.memory_space<semaphore_mem>>)
      tpu.wait_dma2 semaphore(%run_scoped3A : memref<!tpu.dma_semaphore, #tpu.memory_space<semaphore_mem>>) src(%arg3 : memref<128x8xf32, #tpu.memory_space<hbm>>) dst(%arg7 : memref<128x8xf32, #tpu.memory_space<vmem>>)
      tpu.yield
    }) : () -> ()
    %barrier3A = arith.constant 0 : index
    tpu.barrier barrier_id(%barrier3A)
    %scan3A = arith.constant 0 : i32
    %scan3A_3 = arith.constant 0 : i32
    %scan3A_4 = arith.constant 80 : i32
    %scan3A_5 = arith.addi %scan3A_3, %scan3A_4 : i32
    %scan3A_6 = arith.constant 1 : i32
    scf.for %scan3A_9 = %scan3A_3 to %scan3A_5 step %scan3A_6  : i32 {
      "tpu.region"() ({
        %run_scoped3A = tpu.sem_alloc : memref<!tpu.dma_semaphore, #tpu.memory_space<semaphore_mem>>
        %dma_start3A = arith.constant 0 : i32
        %dma_start3A_10 = tpu.memref_slice %arg6[%scan3A_9, %dma_start3A] : memref<80x128xi32, #tpu.memory_space<vmem>> -> memref<1x128xi32, #tpu.memory_space<vmem>>
        %dma_start3A_11 = tpu.memref_squeeze %dma_start3A_10 : memref<1x128xi32, #tpu.memory_space<vmem>> -> memref<128xi32, #tpu.memory_space<vmem>>
        %dma_start3A_12 = arith.constant 0 : i32
        %dma_start3A_13 = arith.constant 0 : i32
        %dma_start3A_14 = tpu.memref_slice %arg8[%dma_start3A_12, %dma_start3A_13] : memref<10240x8xf32, #tpu.memory_space<vmem_shared>> -> memref<10240x8xf32, #tpu.memory_space<vmem_shared>>
        tpu.enqueue_indirect_dma source(%arg7 : memref<128x8xf32, #tpu.memory_space<vmem>>) target(%dma_start3A_14 : memref<10240x8xf32, #tpu.memory_space<vmem_shared>>) offsets(%dma_start3A_11 : memref<128xi32, #tpu.memory_space<vmem>>) semaphore(%run_scoped3A : memref<!tpu.dma_semaphore, #tpu.memory_space<semaphore_mem>>) {add = true}
        %dma_wait3A = arith.constant 0 : i32
        %dma_wait3A_15 = tpu.memref_slice %arg6[%scan3A_9, %dma_wait3A] : memref<80x128xi32, #tpu.memory_space<vmem>> -> memref<1x128xi32, #tpu.memory_space<vmem>>
        %dma_wait3A_16 = tpu.memref_squeeze %dma_wait3A_15 : memref<1x128xi32, #tpu.memory_space<vmem>> -> memref<128xi32, #tpu.memory_space<vmem>>
        %dma_wait3A_17 = arith.constant 0 : i32
        %dma_wait3A_18 = arith.constant 0 : i32
        %dma_wait3A_19 = tpu.memref_slice %arg8[%dma_wait3A_17, %dma_wait3A_18] : memref<10240x8xf32, #tpu.memory_space<vmem_shared>> -> memref<10240x8xf32, #tpu.memory_space<vmem_shared>>
        tpu.wait_indirect_dma semaphore(%run_scoped3A : memref<!tpu.dma_semaphore, #tpu.memory_space<semaphore_mem>>) src(%arg7 : memref<128x8xf32, #tpu.memory_space<vmem>>) dst(%dma_wait3A_19 : memref<10240x8xf32, #tpu.memory_space<vmem_shared>>)
        tpu.yield
      }) : () -> ()
    }
    %scan3A_7 = arith.constant 80 : i32
    %barrier3A_8 = arith.constant 0 : index
    tpu.barrier barrier_id(%barrier3A_8)
    "tpu.region"() ({
      %run_scoped3A = tpu.sem_alloc : memref<!tpu.dma_semaphore, #tpu.memory_space<semaphore_mem>>
      %dma_start3A = arith.constant 0 : i32
      %dma_start3A_9 = tpu.memref_slice %arg5[%arg0, %mul3A_2, %dma_start3A] : memref<2x10240x8xf32, #tpu.memory_space<hbm>> -> memref<1x640x8xf32, #tpu.memory_space<hbm>>
      %dma_start3A_10 = tpu.memref_squeeze %dma_start3A_9 : memref<1x640x8xf32, #tpu.memory_space<hbm>> -> memref<640x8xf32, #tpu.memory_space<hbm>>
      %dma_start3A_11 = arith.constant 0 : i32
      %dma_start3A_12 = tpu.memref_slice %arg8[%mul3A_2, %dma_start3A_11] : memref<10240x8xf32, #tpu.memory_space<vmem_shared>> -> memref<640x8xf32, #tpu.memory_space<vmem_shared>>
      tpu.enqueue_dma source(%dma_start3A_12 : memref<640x8xf32, #tpu.memory_space<vmem_shared>>) target(%dma_start3A_10 : memref<640x8xf32, #tpu.memory_space<hbm>>) target_semaphore(%run_scoped3A : memref<!tpu.dma_semaphore, #tpu.memory_space<semaphore_mem>>)
      %dma_wait3A = arith.constant 0 : i32
      %dma_wait3A_13 = tpu.memref_slice %arg5[%arg0, %mul3A_2, %dma_wait3A] : memref<2x10240x8xf32, #tpu.memory_space<hbm>> -> memref<1x640x8xf32, #tpu.memory_space<hbm>>
      %dma_wait3A_14 = tpu.memref_squeeze %dma_wait3A_13 : memref<1x640x8xf32, #tpu.memory_space<hbm>> -> memref<640x8xf32, #tpu.memory_space<hbm>>
      %dma_wait3A_15 = arith.constant 0 : i32
      %dma_wait3A_16 = tpu.memref_slice %arg8[%mul3A_2, %dma_wait3A_15] : memref<10240x8xf32, #tpu.memory_space<vmem_shared>> -> memref<640x8xf32, #tpu.memory_space<vmem_shared>>
      tpu.wait_dma2 semaphore(%run_scoped3A : memref<!tpu.dma_semaphore, #tpu.memory_space<semaphore_mem>>) src(%dma_wait3A_16 : memref<640x8xf32, #tpu.memory_space<vmem_shared>>) dst(%dma_wait3A_14 : memref<640x8xf32, #tpu.memory_space<hbm>>)
      tpu.yield
    }) : () -> ()
    return
  }
}

module attributes {stable_mosaic.version = 14 : i64} {
  func.func @_tc1_body(%arg0: i32, %arg1: memref<2048x128xf32, #tpu.memory_space<vmem>>, %arg2: memref<128x32xf32, #tpu.memory_space<vmem>>, %arg3: memref<2048x8xf32, #tpu.memory_space<vmem>>, %arg4: memref<2048x8xf32, #tpu.memory_space<vmem>>, %arg5: memref<2048x32xf32, #tpu.memory_space<vmem>>) attributes {dimension_semantics = [#tpu.dimension_semantics<arbitrary>], iteration_bounds = array<i64: 5>, scalar_prefetch = 0 : i64, scratch_operands = 0 : i64, tpu.core_type = #tpu.core_type<tc>, window_params = [{transform_indices = @transform_0, window_bounds = array<i64: 2048, 128>}, {pipeline_mode = #tpu.pipeline_mode<synchronous>, transform_indices = @transform_1, window_bounds = array<i64: 128, 32>}, {transform_indices = @transform_2, window_bounds = array<i64: 2048, 8>}, {transform_indices = @transform_3, window_bounds = array<i64: 2048, 8>}, {transform_indices = @transform_4, window_bounds = array<i64: 2048, 32>}]} {
    %get3A = arith.constant 0 : index
    %get3A_0 = arith.constant 0 : index
    %get3A_1 = vector.load %arg3[%get3A, %get3A_0] : memref<2048x8xf32, #tpu.memory_space<vmem>>, vector<2048x1xf32>
    %get3A_2 = arith.constant 0 : index
    %get3A_3 = arith.constant 0 : index
    %get3A_4 = vector.load %arg4[%get3A_2, %get3A_3] : memref<2048x8xf32, #tpu.memory_space<vmem>>, vector<2048x1xf32>
    %add3A = arith.addf %get3A_1, %get3A_4 : vector<2048x1xf32>
    %add3A_5 = arith.constant 1.000000e+00 : f32
    %add3A_6 = vector.broadcast %add3A_5 : f32 to vector<2048x1xf32>
    %add3A_7 = arith.addf %add3A, %add3A_6 : vector<2048x1xf32>
    %rsqrt3A = math.rsqrt %add3A_7 : vector<2048x1xf32>
    %get3A_8 = arith.constant 0 : index
    %get3A_9 = arith.constant 0 : index
    %get3A_10 = vector.load %arg1[%get3A_8, %get3A_9] : memref<2048x128xf32, #tpu.memory_space<vmem>>, vector<2048x128xf32>
    %get3A_11 = arith.constant 0 : index
    %get3A_12 = arith.constant 0 : index
    %get3A_13 = vector.load %arg2[%get3A_11, %get3A_12] : memref<128x32xf32, #tpu.memory_space<vmem>>, vector<128x32xf32>
    %dot_general3A = arith.constant dense<0.000000e+00> : vector<2048x32xf32>
    %dot_general3A_14 = tpu.matmul %get3A_10, %get3A_13, %dot_general3A {dimension_numbers = #tpu.dot_dimension_numbers<[1], [0], [0], [1], [0, 0, 1, 1], [], []>, transpose_lhs_hint = false} : vector<2048x128xf32>, vector<128x32xf32>, vector<2048x32xf32> -> vector<2048x32xf32>
    %mul3A = vector.broadcast %rsqrt3A : vector<2048x1xf32> to vector<2048x32xf32>
    %mul3A_15 = arith.mulf %dot_general3A_14, %mul3A : vector<2048x32xf32>
    %swap3A = arith.constant 0 : index
    %swap3A_16 = arith.constant 0 : index
    %swap3A_17 = vector.load %arg5[%swap3A, %swap3A_16] : memref<2048x32xf32, #tpu.memory_space<vmem>>, vector<2048x32xf32>
    tpu.vector_store %arg5[%swap3A, %swap3A_16], %mul3A_15 {strides = array<i32>} : memref<2048x32xf32, #tpu.memory_space<vmem>>, vector<2048x32xf32>,
    return
  }
  func.func @transform_0(%arg0: i32) -> (i32, i32) {
    %c0_i32 = arith.constant 0 : i32
    %c0_i32_0 = arith.constant 0 : i32
    return %arg0, %c0_i32 : i32, i32
  }
  func.func @transform_1(%arg0: i32) -> (i32, i32) {
    %c0_i32 = arith.constant 0 : i32
    %c0_i32_0 = arith.constant 0 : i32
    %c0_i32_1 = arith.constant 0 : i32
    return %c0_i32, %c0_i32_0 : i32, i32
  }
  func.func @transform_2(%arg0: i32) -> (i32, i32) {
    %c0_i32 = arith.constant 0 : i32
    %c0_i32_0 = arith.constant 0 : i32
    return %arg0, %c0_i32 : i32, i32
  }
  func.func @transform_3(%arg0: i32) -> (i32, i32) {
    %c0_i32 = arith.constant 0 : i32
    %c0_i32_0 = arith.constant 0 : i32
    return %arg0, %c0_i32 : i32, i32
  }
  func.func @transform_4(%arg0: i32) -> (i32, i32) {
    %c0_i32 = arith.constant 0 : i32
    %c0_i32_0 = arith.constant 0 : i32
    return %arg0, %c0_i32 : i32, i32
  }
}

module attributes {stable_mosaic.version = 14 : i64} {
  func.func @_tc2_body(%arg0: i32, %arg1: memref<2048x32xf32, #tpu.memory_space<vmem>>, %arg2: memref<2048x32xf32, #tpu.memory_space<vmem>>, %arg3: memref<2048x32xf32, #tpu.memory_space<vmem>>, %arg4: memref<2048x8xf32, #tpu.memory_space<vmem>>, %arg5: memref<2048x8xf32, #tpu.memory_space<vmem>>, %arg6: memref<1x32xf32, #tpu.memory_space<vmem>>, %arg7: memref<2048x32xf32, #tpu.memory_space<vmem>>) attributes {dimension_semantics = [#tpu.dimension_semantics<arbitrary>], iteration_bounds = array<i64: 5>, scalar_prefetch = 0 : i64, scratch_operands = 0 : i64, tpu.core_type = #tpu.core_type<tc>, window_params = [{transform_indices = @transform_0, window_bounds = array<i64: 2048, 32>}, {transform_indices = @transform_1, window_bounds = array<i64: 2048, 32>}, {transform_indices = @transform_2, window_bounds = array<i64: 2048, 32>}, {transform_indices = @transform_3, window_bounds = array<i64: 2048, 8>}, {transform_indices = @transform_4, window_bounds = array<i64: 2048, 8>}, {pipeline_mode = #tpu.pipeline_mode<synchronous>, transform_indices = @transform_5, window_bounds = array<i64: 1, 32>}, {transform_indices = @transform_6, window_bounds = array<i64: 2048, 32>}]} {
    %get3A = arith.constant 0 : index
    %get3A_0 = arith.constant 0 : index
    %get3A_1 = vector.load %arg4[%get3A, %get3A_0] : memref<2048x8xf32, #tpu.memory_space<vmem>>, vector<2048x1xf32>
    %get3A_2 = arith.constant 0 : index
    %get3A_3 = arith.constant 0 : index
    %get3A_4 = vector.load %arg5[%get3A_2, %get3A_3] : memref<2048x8xf32, #tpu.memory_space<vmem>>, vector<2048x1xf32>
    %add3A = arith.addf %get3A_1, %get3A_4 : vector<2048x1xf32>
    %add3A_5 = arith.constant 1.000000e+00 : f32
    %add3A_6 = vector.broadcast %add3A_5 : f32 to vector<2048x1xf32>
    %add3A_7 = arith.addf %add3A, %add3A_6 : vector<2048x1xf32>
    %rsqrt3A = math.rsqrt %add3A_7 : vector<2048x1xf32>
    %get3A_8 = arith.constant 0 : index
    %get3A_9 = arith.constant 0 : index
    %get3A_10 = vector.load %arg1[%get3A_8, %get3A_9] : memref<2048x32xf32, #tpu.memory_space<vmem>>, vector<2048x32xf32>
    %get3A_11 = arith.constant 0 : index
    %get3A_12 = arith.constant 0 : index
    %get3A_13 = vector.load %arg2[%get3A_11, %get3A_12] : memref<2048x32xf32, #tpu.memory_space<vmem>>, vector<2048x32xf32>
    %add3A_14 = arith.addf %get3A_10, %get3A_13 : vector<2048x32xf32>
    %get3A_15 = arith.constant 0 : index
    %get3A_16 = arith.constant 0 : index
    %get3A_17 = vector.load %arg3[%get3A_15, %get3A_16] : memref<2048x32xf32, #tpu.memory_space<vmem>>, vector<2048x32xf32>
    %add3A_18 = arith.addf %add3A_14, %get3A_17 : vector<2048x32xf32>
    %mul3A = vector.broadcast %rsqrt3A : vector<2048x1xf32> to vector<2048x32xf32>
    %mul3A_19 = arith.mulf %mul3A, %add3A_18 : vector<2048x32xf32>
    %get3A_20 = arith.constant 0 : index
    %get3A_21 = arith.constant 0 : index
    %get3A_22 = vector.load %arg6[%get3A_20, %get3A_21] : memref<1x32xf32, #tpu.memory_space<vmem>>, vector<1x32xf32>
    %add3A_23 = vector.broadcast %get3A_22 : vector<1x32xf32> to vector<2048x32xf32>
    %add3A_24 = arith.addf %mul3A_19, %add3A_23 : vector<2048x32xf32>
    %max3A = arith.constant 0.000000e+00 : f32
    %max3A_25 = vector.broadcast %max3A : f32 to vector<2048x32xf32>
    %max3A_26 = arith.maximumf %add3A_24, %max3A_25 : vector<2048x32xf32>
    %mul3A_27 = vector.broadcast %rsqrt3A : vector<2048x1xf32> to vector<2048x32xf32>
    %mul3A_28 = arith.mulf %max3A_26, %mul3A_27 : vector<2048x32xf32>
    %swap3A = arith.constant 0 : index
    %swap3A_29 = arith.constant 0 : index
    %swap3A_30 = vector.load %arg7[%swap3A, %swap3A_29] : memref<2048x32xf32, #tpu.memory_space<vmem>>, vector<2048x32xf32>
    tpu.vector_store %arg7[%swap3A, %swap3A_29], %mul3A_28 {strides = array<i32>} : memref<2048x32xf32, #tpu.memory_space<vmem>>, vector<2048x32xf32>,
    return
  }
  func.func @transform_0(%arg0: i32) -> (i32, i32) {
    %c0_i32 = arith.constant 0 : i32
    %c0_i32_0 = arith.constant 0 : i32
    return %arg0, %c0_i32 : i32, i32
  }
  func.func @transform_1(%arg0: i32) -> (i32, i32) {
    %c0_i32 = arith.constant 0 : i32
    %c0_i32_0 = arith.constant 0 : i32
    return %arg0, %c0_i32 : i32, i32
  }
  func.func @transform_2(%arg0: i32) -> (i32, i32) {
    %c0_i32 = arith.constant 0 : i32
    %c0_i32_0 = arith.constant 0 : i32
    return %arg0, %c0_i32 : i32, i32
  }
  func.func @transform_3(%arg0: i32) -> (i32, i32) {
    %c0_i32 = arith.constant 0 : i32
    %c0_i32_0 = arith.constant 0 : i32
    return %arg0, %c0_i32 : i32, i32
  }
  func.func @transform_4(%arg0: i32) -> (i32, i32) {
    %c0_i32 = arith.constant 0 : i32
    %c0_i32_0 = arith.constant 0 : i32
    return %arg0, %c0_i32 : i32, i32
  }
  func.func @transform_5(%arg0: i32) -> (i32, i32) {
    %c0_i32 = arith.constant 0 : i32
    %c0_i32_0 = arith.constant 0 : i32
    %c0_i32_1 = arith.constant 0 : i32
    return %c0_i32, %c0_i32_0 : i32, i32
  }
  func.func @transform_6(%arg0: i32) -> (i32, i32) {
    %c0_i32 = arith.constant 0 : i32
    %c0_i32_0 = arith.constant 0 : i32
    return %arg0, %c0_i32 : i32, i32
  }
}

module attributes {stable_mosaic.version = 14 : i64} {
  func.func @_tc3_body(%arg0: i32, %arg1: memref<2048x32xf32, #tpu.memory_space<vmem>>, %arg2: memref<2048x32xf32, #tpu.memory_space<vmem>>, %arg3: memref<2048x32xf32, #tpu.memory_space<vmem>>, %arg4: memref<2048x8xf32, #tpu.memory_space<vmem>>, %arg5: memref<2048x8xf32, #tpu.memory_space<vmem>>, %arg6: memref<32x16xf32, #tpu.memory_space<vmem>>, %arg7: memref<1x16xf32, #tpu.memory_space<vmem>>, %arg8: memref<32x16xf32, #tpu.memory_space<vmem>>, %arg9: memref<1x16xf32, #tpu.memory_space<vmem>>, %arg10: memref<2048x16xf32, #tpu.memory_space<vmem>>, %arg11: memref<2048x16xf32, #tpu.memory_space<vmem>>) attributes {dimension_semantics = [#tpu.dimension_semantics<arbitrary>], iteration_bounds = array<i64: 5>, scalar_prefetch = 0 : i64, scratch_operands = 0 : i64, tpu.core_type = #tpu.core_type<tc>, window_params = [{transform_indices = @transform_0, window_bounds = array<i64: 2048, 32>}, {transform_indices = @transform_1, window_bounds = array<i64: 2048, 32>}, {transform_indices = @transform_2, window_bounds = array<i64: 2048, 32>}, {transform_indices = @transform_3, window_bounds = array<i64: 2048, 8>}, {transform_indices = @transform_4, window_bounds = array<i64: 2048, 8>}, {pipeline_mode = #tpu.pipeline_mode<synchronous>, transform_indices = @transform_5, window_bounds = array<i64: 32, 16>}, {pipeline_mode = #tpu.pipeline_mode<synchronous>, transform_indices = @transform_6, window_bounds = array<i64: 1, 16>}, {pipeline_mode = #tpu.pipeline_mode<synchronous>, transform_indices = @transform_7, window_bounds = array<i64: 32, 16>}, {pipeline_mode = #tpu.pipeline_mode<synchronous>, transform_indices = @transform_8, window_bounds = array<i64: 1, 16>}, {transform_indices = @transform_9, window_bounds = array<i64: 2048, 16>}, {transform_indices = @transform_10, window_bounds = array<i64: 2048, 16>}]} {
    %get3A = arith.constant 0 : index
    %get3A_0 = arith.constant 0 : index
    %get3A_1 = vector.load %arg4[%get3A, %get3A_0] : memref<2048x8xf32, #tpu.memory_space<vmem>>, vector<2048x1xf32>
    %get3A_2 = arith.constant 0 : index
    %get3A_3 = arith.constant 0 : index
    %get3A_4 = vector.load %arg5[%get3A_2, %get3A_3] : memref<2048x8xf32, #tpu.memory_space<vmem>>, vector<2048x1xf32>
    %add3A = arith.addf %get3A_1, %get3A_4 : vector<2048x1xf32>
    %add3A_5 = arith.constant 1.000000e+00 : f32
    %add3A_6 = vector.broadcast %add3A_5 : f32 to vector<2048x1xf32>
    %add3A_7 = arith.addf %add3A, %add3A_6 : vector<2048x1xf32>
    %rsqrt3A = math.rsqrt %add3A_7 : vector<2048x1xf32>
    %get3A_8 = arith.constant 0 : index
    %get3A_9 = arith.constant 0 : index
    %get3A_10 = vector.load %arg1[%get3A_8, %get3A_9] : memref<2048x32xf32, #tpu.memory_space<vmem>>, vector<2048x32xf32>
    %get3A_11 = arith.constant 0 : index
    %get3A_12 = arith.constant 0 : index
    %get3A_13 = vector.load %arg2[%get3A_11, %get3A_12] : memref<2048x32xf32, #tpu.memory_space<vmem>>, vector<2048x32xf32>
    %add3A_14 = arith.addf %get3A_10, %get3A_13 : vector<2048x32xf32>
    %get3A_15 = arith.constant 0 : index
    %get3A_16 = arith.constant 0 : index
    %get3A_17 = vector.load %arg3[%get3A_15, %get3A_16] : memref<2048x32xf32, #tpu.memory_space<vmem>>, vector<2048x32xf32>
    %add3A_18 = arith.addf %add3A_14, %get3A_17 : vector<2048x32xf32>
    %mul3A = vector.broadcast %rsqrt3A : vector<2048x1xf32> to vector<2048x32xf32>
    %mul3A_19 = arith.mulf %mul3A, %add3A_18 : vector<2048x32xf32>
    %get3A_20 = arith.constant 0 : index
    %get3A_21 = arith.constant 0 : index
    %get3A_22 = vector.load %arg6[%get3A_20, %get3A_21] : memref<32x16xf32, #tpu.memory_space<vmem>>, vector<32x16xf32>
    %dot_general3A = arith.constant dense<0.000000e+00> : vector<2048x16xf32>
    %dot_general3A_23 = tpu.matmul %mul3A_19, %get3A_22, %dot_general3A {dimension_numbers = #tpu.dot_dimension_numbers<[1], [0], [0], [1], [0, 0, 1, 1], [], []>, transpose_lhs_hint = false} : vector<2048x32xf32>, vector<32x16xf32>, vector<2048x16xf32> -> vector<2048x16xf32>
    %get3A_24 = arith.constant 0 : index
    %get3A_25 = arith.constant 0 : index
    %get3A_26 = vector.load %arg7[%get3A_24, %get3A_25] : memref<1x16xf32, #tpu.memory_space<vmem>>, vector<1x16xf32>
    %add3A_27 = vector.broadcast %get3A_26 : vector<1x16xf32> to vector<2048x16xf32>
    %add3A_28 = arith.addf %dot_general3A_23, %add3A_27 : vector<2048x16xf32>
    %swap3A = arith.constant 0 : index
    %swap3A_29 = arith.constant 0 : index
    %swap3A_30 = vector.load %arg10[%swap3A, %swap3A_29] : memref<2048x16xf32, #tpu.memory_space<vmem>>, vector<2048x16xf32>
    tpu.vector_store %arg10[%swap3A, %swap3A_29], %add3A_28 {strides = array<i32>} : memref<2048x16xf32, #tpu.memory_space<vmem>>, vector<2048x16xf32>,
    %get3A_31 = arith.constant 0 : index
    %get3A_32 = arith.constant 0 : index
    %get3A_33 = vector.load %arg8[%get3A_31, %get3A_32] : memref<32x16xf32, #tpu.memory_space<vmem>>, vector<32x16xf32>
    %dot_general3A_34 = arith.constant dense<0.000000e+00> : vector<2048x16xf32>
    %dot_general3A_35 = tpu.matmul %mul3A_19, %get3A_33, %dot_general3A_34 {dimension_numbers = #tpu.dot_dimension_numbers<[1], [0], [0], [1], [0, 0, 1, 1], [], []>, transpose_lhs_hint = false} : vector<2048x32xf32>, vector<32x16xf32>, vector<2048x16xf32> -> vector<2048x16xf32>
    %get3A_36 = arith.constant 0 : index
    %get3A_37 = arith.constant 0 : index
    %get3A_38 = vector.load %arg9[%get3A_36, %get3A_37] : memref<1x16xf32, #tpu.memory_space<vmem>>, vector<1x16xf32>
    %add3A_39 = vector.broadcast %get3A_38 : vector<1x16xf32> to vector<2048x16xf32>
    %add3A_40 = arith.addf %dot_general3A_35, %add3A_39 : vector<2048x16xf32>
    %swap3A_41 = arith.constant 0 : index
    %swap3A_42 = arith.constant 0 : index
    %swap3A_43 = vector.load %arg11[%swap3A_41, %swap3A_42] : memref<2048x16xf32, #tpu.memory_space<vmem>>, vector<2048x16xf32>
    tpu.vector_store %arg11[%swap3A_41, %swap3A_42], %add3A_40 {strides = array<i32>} : memref<2048x16xf32, #tpu.memory_space<vmem>>, vector<2048x16xf32>,
    return
  }
  func.func @transform_0(%arg0: i32) -> (i32, i32) {
    %c0_i32 = arith.constant 0 : i32
    %c0_i32_0 = arith.constant 0 : i32
    return %arg0, %c0_i32 : i32, i32
  }
  func.func @transform_1(%arg0: i32) -> (i32, i32) {
    %c0_i32 = arith.constant 0 : i32
    %c0_i32_0 = arith.constant 0 : i32
    return %arg0, %c0_i32 : i32, i32
  }
  func.func @transform_2(%arg0: i32) -> (i32, i32) {
    %c0_i32 = arith.constant 0 : i32
    %c0_i32_0 = arith.constant 0 : i32
    return %arg0, %c0_i32 : i32, i32
  }
  func.func @transform_3(%arg0: i32) -> (i32, i32) {
    %c0_i32 = arith.constant 0 : i32
    %c0_i32_0 = arith.constant 0 : i32
    return %arg0, %c0_i32 : i32, i32
  }
  func.func @transform_4(%arg0: i32) -> (i32, i32) {
    %c0_i32 = arith.constant 0 : i32
    %c0_i32_0 = arith.constant 0 : i32
    return %arg0, %c0_i32 : i32, i32
  }
  func.func @transform_5(%arg0: i32) -> (i32, i32) {
    %c0_i32 = arith.constant 0 : i32
    %c0_i32_0 = arith.constant 0 : i32
    %c0_i32_1 = arith.constant 0 : i32
    return %c0_i32, %c0_i32_0 : i32, i32
  }
  func.func @transform_6(%arg0: i32) -> (i32, i32) {
    %c0_i32 = arith.constant 0 : i32
    %c0_i32_0 = arith.constant 0 : i32
    %c0_i32_1 = arith.constant 0 : i32
    return %c0_i32, %c0_i32_0 : i32, i32
  }
  func.func @transform_7(%arg0: i32) -> (i32, i32) {
    %c0_i32 = arith.constant 0 : i32
    %c0_i32_0 = arith.constant 0 : i32
    %c0_i32_1 = arith.constant 0 : i32
    return %c0_i32, %c0_i32_0 : i32, i32
  }
  func.func @transform_8(%arg0: i32) -> (i32, i32) {
    %c0_i32 = arith.constant 0 : i32
    %c0_i32_0 = arith.constant 0 : i32
    %c0_i32_1 = arith.constant 0 : i32
    return %c0_i32, %c0_i32_0 : i32, i32
  }
  func.func @transform_9(%arg0: i32) -> (i32, i32) {
    %c0_i32 = arith.constant 0 : i32
    %c0_i32_0 = arith.constant 0 : i32
    return %arg0, %c0_i32 : i32, i32
  }
  func.func @transform_10(%arg0: i32) -> (i32, i32) {
    %c0_i32 = arith.constant 0 : i32
    %c0_i32_0 = arith.constant 0 : i32
    return %arg0, %c0_i32 : i32, i32
  }
}

</mosaic_0001>

<sc_bundles>
// kernel: kernel.11.cloned.1.call-start
scs
__scs_entry_jumppad:
0x0: {  	(pc) =	sbr.rel $0x88, $3  }
0x1: {  	(tag) =	ssettag $0x0;
	lr =	simm.s32 $0x1  }
0x2: {  	[smem:$0x3F99] =	sst lr;
	_ =	strace $0xD0000000  }
0x3: {  	_ = 	snop  }
0x4: {  	_ = 	snop  }
0x5: {  	_ = 	snop  }
0x6: {  	_ = 	snop  }
0x7: {  	_ = 	snop  }
__scs_overlays_trampoline_lowered:
0x8: {  	[smem:$0x3FA8] =	sst s0  }
0x9: {  	[smem:$0x3FA9] =	sst s1  }
0xa: {  	[smem:$0x3FAA] =	sst s2  }
0xb: {  	[smem:$0x3FAB] =	sst s3  }
0xc: {  	[smem:$0x3FAC] =	sst s4  }
0xd: {  	[smem:$0x3FAD] =	sst s5  }
0xe: {  	[smem:$0x3FAE] =	sst s6  }
0xf: {  	[smem:$0x3FAF] =	sst s7  }
0x10: {  	[smem:$0x3FB0] =	sst s8  }
0x11: {  	[smem:$0x3FB1] =	sst s9;
	s0 =	simm.s32 @!p0 $0x0  }
0x12: {  	s1 =	sld [smem:$0x3F97];
	s0 =	simm.s32 @p0 $0x1  }
0x13: {  	[smem:$0x3FB2] =	sst s0;
	s0 =	simm.s32 @!p1 $0x0  }
0x14: {  	s2 =	sld [smem:$0x3F96];
	s0 =	simm.s32 @p1 $0x1  }
0x15: {  	[smem:$0x3FB3] =	sst s0;
	s0 =	simm.s32 @!p2 $0x0  }
0x16: {  	s3 =	sld [smem:$0x3FDB];
	s0 =	simm.s32 @p2 $0x1  }
0x17: {  	s4 =	simm.s32 $0x1BF5;
	[smem:$0x3FB5] =	sst s0  }
0x18: {  	s0 =	sld [smem:$0x3F98];
	_ =	swait.ge [sflag:s4], $0x0  }
0x19: {  	s7 =	sld [smem:$0x3F99]  }
0x1a: {  	s8 =	sadd.s32 $0xFFFFE003, lr  }
0x1b: {  	s9 =	sadd.s32 $0xFFFFFEF7, lr;
	s5 =	simm.s32 $0xFFFFFFFF;
	p2 =	slt.u32 s8, $0xFFFFF086  }
0x1c: {  	p1 =	slt.u32 s9, $0xF7A;
	s5 =	simm.s32 @!p2 $0x0  }
0x1d: {  	s5 =	simm.s32 @p1 $0x1;
	p0 =	seq.s32 s7, s2  }
0x1e: {  	s7 =	smul.u32 @!p0 $0xF7A, s2;
	p2 =	seq.s32 @!p0 s5, $0x0  }
0x1f: {  	s9 =	smul.u32 $0xF7A, s1;
	s8 =	simm.s32 @!p0 $0x1BF5;
	p2 =	por !p2, p0  }
0x20: {  	[sflag:s8] =	ssyncset.s32 @!p0 $0xFFFFF086;
	s6 =	sadd.s32 @!p0 s3, s7;
	s7 =	simm.s32 @!p0 $0x108  }
0x21: {  	s3 =	sadd.s32 s3, s9;
	s6 =	sadd.s32 @!p0 $0x88, s6;
	s7 =	simm.s32 @p2 $0x1082  }
0x22: {  	[simem:s7], [sflag:s8] =	dma.local @!p0 [hbm:s6], $0xF7A  }
0x23: {  	s9 =	sor.u32 $0xD0000000, s2;
	s6 =	simm.s32 $0x108;
	_ =	swait.ge @!p0 [sflag:s8], $0x0  }
0x24: {  	s3 =	sadd.s32 $0x88, s3;
	s6 =	simm.s32 @!p1 $0x1082;
	[sflag:s4] =	ssyncset.s32 $0xFFFFF086  }
0x25: {  	[simem:s6], [sflag:s4] =	dma.local [hbm:s3], $0xF7A  }
0x26: {  	[smem:$0x3F99] =	sst s1;
	(tag) =	ssettag s2;
	_ =	strace s9  }
0x27: {  	s1 =	sld [smem:$0x3FA9]  }
0x28: {  	s2 =	sld [smem:$0x3FAA]  }
0x29: {  	s4 =	sld [smem:$0x3FAC]  }
0x2a: {  	p0 =	seq.s32 s5, $0x0;
	s5 =	sld [smem:$0x3FAD]  }
0x2b: {  	s6 =	sld [smem:$0x3FAE]  }
0x2c: {  	s7 =	sld [smem:$0x3FAF]  }
0x2d: {  	s3 =	simm.s32 $0x108;
	s8 =	sld [smem:$0x3FB0]  }
0x2e: {  	s3 =	simm.s32 @!p0 $0x1082;
	s9 =	sld [smem:$0x3FB1]  }
0x2f: {  	lr =	sadd.s32 s0, s3;
	s0 =	sld [smem:$0x3FA8]  }
0x30: {  	s3 =	sld [smem:$0x3FAB]  }
0x31: {  	[smem:$0x3FB4] =	sst s10  }
0x32: {  	s10 =	sld [smem:$0x3FB2];
	_ =	sdelay $0x3  }
0x33: {  	p0 =	seq.s32 s10, $0x1;
	s10 =	sld [smem:$0x3FB4];
	_ =	sdelay $0x3  }
0x34: {  	[smem:$0x3FB4] =	sst s10  }
0x35: {  	s10 =	sld [smem:$0x3FB3];
	_ =	sdelay $0x3  }
0x36: {  	p1 =	seq.s32 s10, $0x1;
	s10 =	sld [smem:$0x3FB4];
	_ =	sdelay $0x3  }
0x37: {  	[smem:$0x3FB4] =	sst s10  }
0x38: {  	s10 =	sld [smem:$0x3FB5]  }
0x39: {  	_ = 	snop;
	(pc) =	sbr.ind lr, $3  }
0x3a: {  	_ = 	snop  }
0x3b: {  	_ = 	snop  }
0x3c: {  	p2 =	seq.s32 s10, $0x1;
	s10 =	sld [smem:$0x3FB4]  }
0x3d: {  	_ =	shalt  }
0x3e: {  	_ =	shalt  }
0x3f: {  	_ =	shalt  }
0x40: {  	_ =	shalt  }
0x41: {  	_ =	shalt  }
0x42: {  	_ =	shalt  }
0x43: {  	_ =	shalt  }
0x44: {  	_ =	shalt  }
0x45: {  	_ =	shalt  }
0x46: {  	_ =	shalt  }
0x47: {  	_ =	shalt  }
0x48: {  	_ =	shalt  }
0x49: {  	_ =	shalt  }
0x4a: {  	_ =	shalt  }
0x4b: {  	_ =	shalt  }
0x4c: {  	_ =	shalt  }
0x4d: {  	_ =	shalt  }
0x4e: {  	_ =	shalt  }
0x4f: {  	_ =	shalt  }
0x50: {  	_ =	shalt  }
0x51: {  	_ =	shalt  }
0x52: {  	_ =	shalt  }
0x53: {  	_ =	shalt  }
0x54: {  	_ =	shalt  }
0x55: {  	_ =	shalt  }
0x56: {  	_ =	shalt  }
0x57: {  	_ =	shalt  }
0x58: {  	_ =	shalt  }
0x59: {  	_ =	shalt  }
0x5a: {  	_ =	shalt  }
0x5b: {  	_ =	shalt  }
0x5c: {  	_ =	shalt  }
0x5d: {  	_ =	shalt  }
0x5e: {  	_ =	shalt  }
0x5f: {  	_ =	shalt  }
0x60: {  	_ =	shalt  }
0x61: {  	_ =	shalt  }
0x62: {  	_ =	shalt  }
0x63: {  	_ =	shalt  }
0x64: {  	_ =	shalt  }
0x65: {  	_ =	shalt  }
0x66: {  	_ =	shalt  }
0x67: {  	_ =	shalt  }
0x68: {  	_ =	shalt  }
0x69: {  	_ =	shalt  }
0x6a: {  	_ =	shalt  }
0x6b: {  	_ =	shalt  }
0x6c: {  	_ =	shalt  }
0x6d: {  	_ =	shalt  }
0x6e: {  	_ =	shalt  }
0x6f: {  	_ =	shalt  }
0x70: {  	_ =	shalt  }
0x71: {  	_ =	shalt  }
0x72: {  	_ =	shalt  }
0x73: {  	_ =	shalt  }
0x74: {  	_ =	shalt  }
0x75: {  	_ =	shalt  }
0x76: {  	_ =	shalt  }
0x77: {  	_ =	shalt  }
0x78: {  	_ =	shalt  }
0x79: {  	_ =	shalt  }
0x7a: {  	_ =	shalt  }
0x7b: {  	_ =	shalt  }
0x7c: {  	_ =	shalt  }
0x7d: {  	_ =	shalt  }
0x7e: {  	_ =	shalt  }
0x7f: {  	_ =	shalt  }
0x80: {  	_ =	shalt  }
0x81: {  	_ =	shalt  }
0x82: {  	_ =	shalt  }
0x83: {  	_ =	shalt  }
0x84: {  	_ =	shalt  }
0x85: {  	_ =	shalt  }
0x86: {  	_ =	shalt  }
0x87: {  	_ =	shalt  }
.Lfunc_end0:
.L_simem_size_0:
called_computation.1_lowered:
.L_overlay_start_0:
0x88: {  	s2 =	sld [smem:$0x3FD9]  }
0x89: {  	s3 =	sld [smem:$0x3FFE];
	_ =	sdelay $0x1  }
0x8a: {  	s1 =	srdreg.scid  }
0x8b: {  	s0 =	sand.u32 $0x1, s1  }
0x8c: {  	s14 =	sshll.u32 s0, $0xA;
	s2 =	sadd.s32 s3, s2  }
0x8d: {  	s2 =	sadd.s32 s2, s14  }
0x8e: {  	[smem:$0x3FC0] =	sst s2  }
0x8f: {  	_ = 	snop  }
0x90: {  	s2 =	sld [smem:$0x3FD0];
	_ =	sdelay $0x2  }
0x91: {  	s15 =	simm.s32 $0xA;
	s4 =	simm.s32 $0x10  }
0x92: {  	[smem:s4], [sflag:s15] =	dma.local [hbm:s2], $0x1  }
0x93: {  	_ =	swait.eq [sflag:s15], $0x1  }
0x94: {  	[sflag:s15] =	ssyncset.done $0x0  }
0x95: {  	[sflag:s15] =	ssyncadd.s32 $0xFFFFFFFF  }
0x96: {  	s16 =	sld [smem:$0x11];
	(tm) =	ssettm $0x1  }
0x97: {  	s17 =	sld [smem:$0x3FFB];
	_ =	sdelay $0x3  }
0x98: {  	_ =	strace s17  }
0x99: {  	s3 =	sld [smem:$0x3FFC];
	_ =	sdelay $0x3  }
0x9a: {  	_ =	strace s3  }
0x9b: {  	s3 =	sld [smem:$0x3FFD];
	_ =	sdelay $0x3  }
0x9c: {  	_ =	strace s3  }
0x9d: {  	_ =	strace $0x8FFFFFFF  }
0x9e: {  	s18 =	sld [smem:$0x3FDB];
	_ =	sdelay $0x1  }
0x9f: {  	s19 =	simm.s32 $_scs_section_size  }
0xa0: {  	s5 =	simm.s32 $_size__tile_overlayer_lowered;
	s6 =	simm.s32 $_tile_overlayer_lowered  }
0xa1: {  	s22 =	simm.s32 $0x1BFF;
	s21 =	sshll.u32 s6, $0x1;
	s3 =	sadd.s32 s19, s18  }
0xa2: {  	s7 =	simm.s32 $0x0;
	s20 =	sshll.u32 s5, $0x1;
	s5 =	sadd.s32 s21, s3  }
0xa3: {  	[timem:s7], [sflag:s22] =	dma.local [hbm:s5], s20  }
0xa4: {  	_ =	swait.ge [sflag:s22], s20  }
0xa5: {  	s4 =	ssub.s32 $0x0, s20;
	[sflag:s22] =	ssyncset.done $0x0  }
0xa6: {  	[sflag:s22] =	ssyncadd.s32 s4;
	_ =	sdelay $0x1  }
0xa7: {  	s23 =	simm.s32 $0x1B8B  }
0xa8: {  	_ =	swait.ge [sflag:s23], $0x1  }
0xa9: {  	[sflag:s23] =	ssyncset.done $0x0  }
0xaa: {  	s25 =	simm.s32 $0x1B8E;
	s24 =	sld [smem:$0x3FFE];
	[sflag:s23] =	ssyncadd.s32 $0xFFFFFFFF  }
0xab: {  	s26 =	simm.s32 $execute0_lowered;
	[smem:$0x3FD2] =	sst s25  }
0xac: {  	s5 =	sshll.u32 s26, $0x1;
	_ =	strace $0x80000049;
	[dreg:$0x1] =	wrdreg $0xFFFFFFFF  }
0xad: {  	s28 =	simm.s32 $_size_execute0_lowered;
	s3 =	sadd.s32 s3, s5;
	[dreg:$0x0] =	wrdreg $0x0  }
0xae: {  	s5 =	sshll.u32 s28, $0x1;
	[dreg:$0x2] =	wrdreg s3  }
0xaf: {  	[dreg:$0x3] =	wrdreg s5  }
0xb0: {  	[dreg:$0x4] =	wrdreg $0xC0  }
0xb1: {  	_ =	task [dreg:s7], $0x5FFFF  }
0xb2: {  	[dreg:$0x1] =	wrdreg $0xFFFFFFFF  }
0xb3: {  	[dreg:$0x0] =	wrdreg $0x60  }
0xb4: {  	[dreg:$0x2] =	wrdreg s24  }
0xb5: {  	[dreg:$0x3] =	wrdreg s16  }
0xb6: {  	[dreg:$0x4] =	wrdreg $0xE0000  }
0xb7: {  	[dreg:$0x5] =	wrdreg $0x90000  }
0xb8: {  	[dreg:$0x6] =	wrdreg $0x9  }
0xb9: {  	_ =	task.clear_ibuf [dreg:s7], $0x7FFFF;
	_ =	strace $0x90000049  }
0xba: {  	s29 =	simm.s32 $0x9;
	_ =	strace $0x8000004B  }
0xbb: {  	_ =	swait.ge [sflag:s29], $0x1  }
0xbc: {  	[sflag:s29] =	ssyncadd.s32 $0xFFFFFFFF  }
0xbd: {  	_ =	strace $0x9000004B  }
0xbe: {  	_ =	sfence  }
0xbf: {  	s30 =	sld [smem:$0x0];
	_ =	sdelay $0x2  }
0xc0: {  	s31 =	sshll.u32 s1, $0xD;
	s1 =	sshrl.u32 s1, $0x2  }
0xc1: {  	s3 =	sand.u32 $0x4000, s31;
	s1 =	sadd.s32 s1, s30  }
0xc2: {  	s0 =	sor.u32 s3, s0;
	s1 =	sshll.u32 s1, $0x11  }
0xc3: {  	s0 =	sor.u32 s1, s0  }
0xc4: {  	s0 =	sadd.s32 $0x8F2B, s0  }
0xc5: {  	[sflag:s0] =	ssyncadd.remote.s32 $0x1  }
0xc6: {  	_ =	sfence.sel $0xFFFF  }
0xc7: {  	[dreg:$0x0] =	wrdreg $0xFFFFFFFF;
	(pc) =	sbr.abs _section_cstart, $3  }
0xc8: {  	[dreg:$0x1] =	wrdreg $0xFFFFFFFF  }
0xc9: {  	_ =	task.clear_ibuf [dreg:s7], $0x2FFFF;
	_ =	strace $0x9FFFFFFF  }
0xca: {  	(tm) =	ssettm $0x7FFFFFFF  }
0xcb: {  	_ =	shalt  }
tec
execute0_lowered:
.L_overlay_start_1:
0x0: {  	(tag) =	ssettag $0x1  }
0x1: {  	s0 =	rddreg [dreg:$0x0]  }
0x2: {  	s3 =	rddreg [dreg:$0x2]  }
0x3: {  	s4 =	rddreg [dreg:$0x3]  }
0x4: {  	s1 =	srdreg.scid;
	s10 =	stileid.u32;
	s5 =	simm.s32 $0x0  }
0x5: {  	s13 =	simm.s32 $0x9;
	s15 =	simm.s32 $0x2800;
	s16 =	simm.s32 $0x80  }
0x6: {  	s17 =	simm.s32 $0x5000;
	s18 =	simm.s32 $0x6000;
	s20 =	simm.s32 $0x7000  }
0x7: {  	s22 =	simm.s32 $0x8000;
	s23 =	simm.s32 $0x1;
	s24 =	simm.s32 $0x5  }
0x8: {  	s29 =	simm.s32 $0x6;
	s31 =	simm.s32 $0x3;
	s19 =	simm.s32 $0x4  }
0x9: {  	s21 =	simm.s32 $0x4F80;
	s28 =	simm.s32 $0x0;
	s1 =	sand.u32 $0x1, s1  }
0xa: {  	s2 =	smul.u32 $0x5000, s10;
	[smem:$0x7FF] =	sst s5;
	s30 =	sshll.u32 s10, $0x6  }
0xb: {  	s6 =	sshll.u32 s1, $0x4;
	s7 =	smul.u32 $0x50000, s1;
	_ =	strace $0x8000004A  }
0xc: {  	s1 =	ssub.s32 $0x2, s1;
	s6 =	sor.u32 s10, s6;
	s8 =	sshrl.u32 s2, $0x3  }
0xd: {  	s26 =	sshrl.u32 s1, $0x1;
	s12 =	sadd.s32 s2, s3;
	s6 =	smul.u32 $0x500, s6  }
0xe: {  	s8 =	sadd.s32 s8, s0;
	s7 =	sadd.s32 s2, s7;
	s1 =	ssub.s32 s1, s26  }
0xf: {  	s2 =	sadd.s32 s2, s4;
	s12 =	sshrl.u32 s12, $0x3;
	s26 =	simm.s32 $0x2  }
0x10: {  	s25 =	sshrl.u32 s7, $0x3;
	s7 =	sor.u32 $0x1C09, s30;
	s11 =	smax.u32 s1, $0x1  }
0x11: {  	s14 =	sshrl.u32 s2, $0x3;
	s2 =	simm.s32 $0x7;
	s9 =	sadd.s32 s6, s0  }
0x12: {  	s0 =	sadd.s32 s25, s0;
	s6 =	sadd.s32 $0x6B600, s8;
	s25 =	simm.s32 $0x8  }
0x13: {  	s8 =	sadd.s32 $0x11600, s9;
	s9 =	sadd.s32 $0x2600, s9;
	s10 =	sadd.s32 $0x75600, s0  }
.LBB2_1:
0x14: {  	[spmem:s12], [sflag:s7] =	dma.local [hbm:s6], $0xA00  }
0x15: {  	_ =	swait.ge [sflag:s13], $0xA00  }
0x16: {  	[sflag:s13] =	ssyncset.done $0x0  }
0x17: {  	[sflag:s13] =	ssyncadd.s32 $0xFFFFF600  }
0x18: {  	s0 =	rddreg [dreg:$0x1]  }
0x19: {  	[spmem:s14], [sflag:s7] =	dma.local [hbm:s0], $0xA00  }
0x1a: {  	_ =	swait.ge [sflag:s13], $0xA00  }
0x1b: {  	[sflag:s13] =	ssyncset.done $0x0  }
0x1c: {  	[sflag:s13] =	ssyncadd.s32 $0xFFFFF600  }
0x1d: {  	[tilespmem:s5], [sflag:$0x9] =	stream.linear.gather [hbm4b:s8+s5], $0x2800, $0x38;
	[tilespmem:$0x13000] =	vst v63  }
0x1e: {  	_ =	swait.ge [sflag:s13], $0x2800  }
0x1f: {  	[sflag:s13] =	ssyncset.done $0x0  }
0x20: {  	[sflag:s13] =	ssyncadd.s32 $0xFFFFD800  }
0x21: {  	[tilespmem:s15], [sflag:$0x9] =	stream.linear.gather [hbm4b:s9+s5], $0x2800, $0x38;
	[tilespmem:$0x13000] =	vst v63  }
0x22: {  	_ =	swait.ge [sflag:s13], $0x2800  }
0x23: {  	[sflag:s13] =	ssyncset.done $0x0  }
0x24: {  	[sflag:s13] =	ssyncadd.s32 $0xFFFFD800  }
0x25: {  	[bflag:$0x0] =	sbarrier.arrive $0xFFFF  }
0x26: {  	[tilespmem:s17], [sflag:$0x1] =	stream.indirect.gather [spmem:s3], $0x20, s5, s16, $0xb8;
	[tilespmem:$0x13000] =	vst v63  }
0x27: {  	_ = 	snop  }
0x28: {  	[tilespmem:s18], [sflag:$0x2] =	stream.indirect.gather [spmem:s3], $0x20, s16, s16, $0xb8;
	[tilespmem:$0x13000] =	vst v63  }
0x29: {  	s1 =	simm.s32 $0x100  }
0x2a: {  	[tilespmem:s20], [sflag:$0x3] =	stream.indirect.gather [spmem:s3], $0x20, s1, s16, $0xb8;
	[tilespmem:$0x13000] =	vst v63  }
0x2b: {  	s1 =	simm.s32 $0x180  }
0x2c: {  	[tilespmem:s22], [sflag:$0x4] =	stream.indirect.gather [spmem:s3], $0x20, s1, s16, $0xb8;
	[tilespmem:$0x13000] =	vst v63  }
0x2d: {  	_ =	swait.ge [sflag:s23], $0x1000  }
0x2e: {  	[sflag:s23] =	ssyncset.done $0x0  }
0x2f: {  	[sflag:s23] =	ssyncadd.s32 $0xFFFFF000  }
0x30: {  	[spmem:s4] =	stream.indirect.scatter.add.f32 [tilespmem:s17], [sflag:$0x5], $0x20, s15, s16, $0xb8;
	[tilespmem:$0x13000] =	vst v63  }
0x31: {  	_ =	swait.ge [sflag:s24], $0x1000  }
0x32: {  	[sflag:s24] =	ssyncset.done $0x0  }
0x33: {  	s1 =	simm.s32 $0x200;
	[sflag:s24] =	ssyncadd.s32 $0xFFFFF000  }
0x34: {  	[tilespmem:s17], [sflag:$0x1] =	stream.indirect.gather [spmem:s3], $0x20, s1, s16, $0xb8;
	[tilespmem:$0x13000] =	vst v63  }
0x35: {  	_ =	swait.ge [sflag:s26], $0x1000  }
0x36: {  	[sflag:s26] =	ssyncset.done $0x0  }
0x37: {  	s1 =	simm.s32 $0x2880;
	[sflag:s26] =	ssyncadd.s32 $0xFFFFF000  }
0x38: {  	[spmem:s4] =	stream.indirect.scatter.add.f32 [tilespmem:s18], [sflag:$0x6], $0x20, s1, s16, $0xb8;
	[tilespmem:$0x13000] =	vst v63  }
0x39: {  	_ =	swait.ge [sflag:s29], $0x1000  }
0x3a: {  	[sflag:s29] =	ssyncset.done $0x0  }
0x3b: {  	s1 =	simm.s32 $0x280;
	[sflag:s29] =	ssyncadd.s32 $0xFFFFF000  }
0x3c: {  	[tilespmem:s18], [sflag:$0x2] =	stream.indirect.gather [spmem:s3], $0x20, s1, s16, $0xb8;
	[tilespmem:$0x13000] =	vst v63  }
0x3d: {  	_ =	swait.ge [sflag:s31], $0x1000  }
0x3e: {  	[sflag:s31] =	ssyncset.done $0x0  }
0x3f: {  	s1 =	simm.s32 $0x2900;
	[sflag:s31] =	ssyncadd.s32 $0xFFFFF000  }
0x40: {  	[spmem:s4] =	stream.indirect.scatter.add.f32 [tilespmem:s20], [sflag:$0x7], $0x20, s1, s16, $0xb8;
	[tilespmem:$0x13000] =	vst v63  }
0x41: {  	_ =	swait.ge [sflag:s2], $0x1000  }
0x42: {  	[sflag:s2] =	ssyncset.done $0x0  }
0x43: {  	s1 =	simm.s32 $0x300;
	[sflag:s2] =	ssyncadd.s32 $0xFFFFF000  }
0x44: {  	[tilespmem:s20], [sflag:$0x3] =	stream.indirect.gather [spmem:s3], $0x20, s1, s16, $0xb8;
	[tilespmem:$0x13000] =	vst v63  }
0x45: {  	_ =	swait.ge [sflag:s19], $0x1000  }
0x46: {  	[sflag:s19] =	ssyncset.done $0x0  }
0x47: {  	s1 =	simm.s32 $0x2980;
	[sflag:s19] =	ssyncadd.s32 $0xFFFFF000  }
0x48: {  	[spmem:s4] =	stream.indirect.scatter.add.f32 [tilespmem:s22], [sflag:$0x8], $0x20, s1, s16, $0xb8;
	[tilespmem:$0x13000] =	vst v63  }
0x49: {  	_ =	swait.ge [sflag:s25], $0x1000  }
0x4a: {  	[sflag:s25] =	ssyncset.done $0x0  }
0x4b: {  	s1 =	simm.s32 $0x380;
	[sflag:s25] =	ssyncadd.s32 $0xFFFFF000  }
0x4c: {  	[tilespmem:s22], [sflag:$0x4] =	stream.indirect.gather [spmem:s3], $0x20, s1, s16, $0xb8;
	[tilespmem:$0x13000] =	vst v63  }
0x4d: {  	_ =	swait.ge [sflag:s23], $0x1000  }
0x4e: {  	[sflag:s23] =	ssyncset.done $0x0  }
0x4f: {  	s1 =	simm.s32 $0x2A00;
	[sflag:s23] =	ssyncadd.s32 $0xFFFFF000  }
0x50: {  	[spmem:s4] =	stream.indirect.scatter.add.f32 [tilespmem:s17], [sflag:$0x5], $0x20, s1, s16, $0xb8;
	[tilespmem:$0x13000] =	vst v63  }
0x51: {  	_ =	swait.ge [sflag:s24], $0x1000  }
0x52: {  	[sflag:s24] =	ssyncset.done $0x0  }
0x53: {  	s1 =	simm.s32 $0x400;
	[sflag:s24] =	ssyncadd.s32 $0xFFFFF000  }
0x54: {  	[tilespmem:s17], [sflag:$0x1] =	stream.indirect.gather [spmem:s3], $0x20, s1, s16, $0xb8;
	[tilespmem:$0x13000] =	vst v63  }
0x55: {  	_ =	swait.ge [sflag:s26], $0x1000  }
0x56: {  	[sflag:s26] =	ssyncset.done $0x0  }
0x57: {  	s1 =	simm.s32 $0x2A80;
	[sflag:s26] =	ssyncadd.s32 $0xFFFFF000  }
0x58: {  	[spmem:s4] =	stream.indirect.scatter.add.f32 [tilespmem:s18], [sflag:$0x6], $0x20, s1, s16, $0xb8;
	[tilespmem:$0x13000] =	vst v63  }
0x59: {  	_ =	swait.ge [sflag:s29], $0x1000  }
0x5a: {  	[sflag:s29] =	ssyncset.done $0x0  }
0x5b: {  	s1 =	simm.s32 $0x480;
	[sflag:s29] =	ssyncadd.s32 $0xFFFFF000  }
0x5c: {  	[tilespmem:s18], [sflag:$0x2] =	stream.indirect.gather [spmem:s3], $0x20, s1, s16, $0xb8;
	[tilespmem:$0x13000] =	vst v63  }
0x5d: {  	_ =	swait.ge [sflag:s31], $0x1000  }
0x5e: {  	[sflag:s31] =	ssyncset.done $0x0  }
0x5f: {  	s1 =	simm.s32 $0x2B00;
	[sflag:s31] =	ssyncadd.s32 $0xFFFFF000  }
0x60: {  	[spmem:s4] =	stream.indirect.scatter.add.f32 [tilespmem:s20], [sflag:$0x7], $0x20, s1, s16, $0xb8;
	[tilespmem:$0x13000] =	vst v63  }
0x61: {  	_ =	swait.ge [sflag:s2], $0x1000  }
0x62: {  	[sflag:s2] =	ssyncset.done $0x0  }
0x63: {  	s1 =	simm.s32 $0x500;
	[sflag:s2] =	ssyncadd.s32 $0xFFFFF000  }
0x64: {  	[tilespmem:s20], [sflag:$0x3] =	stream.indirect.gather [spmem:s3], $0x20, s1, s16, $0xb8;
	[tilespmem:$0x13000] =	vst v63  }
0x65: {  	_ =	swait.ge [sflag:s19], $0x1000  }
0x66: {  	[sflag:s19] =	ssyncset.done $0x0  }
0x67: {  	s30 =	simm.s32 $0x800;
	s0 =	simm.s32 $0x2B80;
	[sflag:s19] =	ssyncadd.s32 $0xFFFFF000  }
.LBB2_2:
0x68: {  	[spmem:s4] =	stream.indirect.scatter.add.f32 [tilespmem:s22], [sflag:$0x8], $0x20, s0, s16, $0xb8;
	[tilespmem:$0x13000] =	vst v63  }
0x69: {  	s0 =	smov.u32 s30  }
0x6a: {  	p0 =	sne.s32 s30, $0x8800;
	s30 =	sadd.s32 $0x800, s30;
	_ =	swait.ge [sflag:s25], $0x1000  }
0x6b: {  	s0 =	sshra.s32 s0, $0x2;
	[sflag:s25] =	ssyncset.done $0x0  }
0x6c: {  	s1 =	sadd.s32 $0x380, s0;
	[sflag:s25] =	ssyncadd.s32 $0xFFFFF000  }
0x6d: {  	[tilespmem:s22], [sflag:$0x4] =	stream.indirect.gather [spmem:s3], $0x20, s1, s16, $0xb8;
	[tilespmem:$0x13000] =	vst v63  }
0x6e: {  	_ =	swait.ge [sflag:s23], $0x1000  }
0x6f: {  	[sflag:s23] =	ssyncset.done $0x0  }
0x70: {  	s1 =	sadd.s32 $0x2A00, s0;
	[sflag:s23] =	ssyncadd.s32 $0xFFFFF000  }
0x71: {  	[spmem:s4] =	stream.indirect.scatter.add.f32 [tilespmem:s17], [sflag:$0x5], $0x20, s1, s16, $0xb8;
	[tilespmem:$0x13000] =	vst v63  }
0x72: {  	_ =	swait.ge [sflag:s24], $0x1000  }
0x73: {  	[sflag:s24] =	ssyncset.done $0x0  }
0x74: {  	s1 =	sadd.s32 $0x400, s0;
	[sflag:s24] =	ssyncadd.s32 $0xFFFFF000  }
0x75: {  	[tilespmem:s17], [sflag:$0x1] =	stream.indirect.gather [spmem:s3], $0x20, s1, s16, $0xb8;
	[tilespmem:$0x13000] =	vst v63  }
0x76: {  	_ =	swait.ge [sflag:s26], $0x1000  }
0x77: {  	[sflag:s26] =	ssyncset.done $0x0  }
0x78: {  	s1 =	sadd.s32 $0x2A80, s0;
	[sflag:s26] =	ssyncadd.s32 $0xFFFFF000  }
0x79: {  	[spmem:s4] =	stream.indirect.scatter.add.f32 [tilespmem:s18], [sflag:$0x6], $0x20, s1, s16, $0xb8;
	[tilespmem:$0x13000] =	vst v63  }
0x7a: {  	_ =	swait.ge [sflag:s29], $0x1000  }
0x7b: {  	[sflag:s29] =	ssyncset.done $0x0  }
0x7c: {  	s1 =	sadd.s32 $0x480, s0;
	[sflag:s29] =	ssyncadd.s32 $0xFFFFF000  }
0x7d: {  	[tilespmem:s18], [sflag:$0x2] =	stream.indirect.gather [spmem:s3], $0x20, s1, s16, $0xb8;
	[tilespmem:$0x13000] =	vst v63  }
0x7e: {  	_ =	swait.ge [sflag:s31], $0x1000  }
0x7f: {  	[sflag:s31] =	ssyncset.done $0x0  }
0x80: {  	s1 =	sadd.s32 $0x2B00, s0;
	[sflag:s31] =	ssyncadd.s32 $0xFFFFF000  }
0x81: {  	[spmem:s4] =	stream.indirect.scatter.add.f32 [tilespmem:s20], [sflag:$0x7], $0x20, s1, s16, $0xb8;
	[tilespmem:$0x13000] =	vst v63  }
0x82: {  	_ =	swait.ge [sflag:s2], $0x1000  }
0x83: {  	[sflag:s2] =	ssyncset.done $0x0  }
.Ltmp0:
0x84: {  	s1 =	sadd.s32 $0x500, s0;
	[sflag:s2] =	ssyncadd.s32 $0xFFFFF000;
	(pc) =	sbr.rel @p0 .LBB2_2-.Ltmp0, $4  }
0x85: {  	[tilespmem:s20], [sflag:$0x3] =	stream.indirect.gather [spmem:s3], $0x20, s1, s16, $0xb8;
	[tilespmem:$0x13000] =	vst v63  }
0x86: {  	_ =	swait.ge [sflag:s19], $0x1000  }
0x87: {  	[sflag:s19] =	ssyncset.done $0x0  }
0x88: {  	s0 =	sadd.s32 $0x2B80, s0;
	[sflag:s19] =	ssyncadd.s32 $0xFFFFF000  }
0x89: {  	[spmem:s4] =	stream.indirect.scatter.add.f32 [tilespmem:s22], [sflag:$0x8], $0x20, s0, s16, $0xb8;
	[tilespmem:$0x13000] =	vst v63  }
0x8a: {  	_ =	swait.ge [sflag:s25], $0x1000  }
0x8b: {  	[sflag:s25] =	ssyncset.done $0x0  }
0x8c: {  	s1 =	simm.s32 $0x2780;
	[sflag:s25] =	ssyncadd.s32 $0xFFFFF000  }
0x8d: {  	[tilespmem:s22], [sflag:$0x4] =	stream.indirect.gather [spmem:s3], $0x20, s1, s16, $0xb8;
	[tilespmem:$0x13000] =	vst v63  }
0x8e: {  	_ =	swait.ge [sflag:s23], $0x1000  }
0x8f: {  	[sflag:s23] =	ssyncset.done $0x0  }
0x90: {  	s30 =	simm.s32 $0x4E00;
	[sflag:s23] =	ssyncadd.s32 $0xFFFFF000  }
0x91: {  	[spmem:s4] =	stream.indirect.scatter.add.f32 [tilespmem:s17], [sflag:$0x5], $0x20, s30, s16, $0xb8;
	[tilespmem:$0x13000] =	vst v63  }
0x92: {  	_ =	swait.ge [sflag:s26], $0x1000  }
0x93: {  	[sflag:s26] =	ssyncset.done $0x0  }
0x94: {  	s1 =	simm.s32 $0x4E80;
	[sflag:s26] =	ssyncadd.s32 $0xFFFFF000  }
0x95: {  	[spmem:s4] =	stream.indirect.scatter.add.f32 [tilespmem:s18], [sflag:$0x6], $0x20, s1, s16, $0xb8;
	[tilespmem:$0x13000] =	vst v63  }
0x96: {  	_ =	swait.ge [sflag:s31], $0x1000  }
0x97: {  	[sflag:s31] =	ssyncset.done $0x0  }
0x98: {  	s30 =	simm.s32 $0x4F00;
	[sflag:s31] =	ssyncadd.s32 $0xFFFFF000  }
0x99: {  	[spmem:s4] =	stream.indirect.scatter.add.f32 [tilespmem:s20], [sflag:$0x7], $0x20, s30, s16, $0xb8;
	[tilespmem:$0x13000] =	vst v63  }
0x9a: {  	_ =	swait.ge [sflag:s19], $0x1000  }
0x9b: {  	[sflag:s19] =	ssyncset.done $0x0  }
0x9c: {  	[sflag:s19] =	ssyncadd.s32 $0xFFFFF000  }
0x9d: {  	[spmem:s4] =	stream.indirect.scatter.add.f32 [tilespmem:s22], [sflag:$0x8], $0x20, s21, s16, $0xb8;
	[tilespmem:$0x13000] =	vst v63  }
0x9e: {  	_ =	swait.ge [sflag:s24], $0x1000  }
0x9f: {  	[sflag:s24] =	ssyncset.done $0x0  }
0xa0: {  	[sflag:s24] =	ssyncadd.s32 $0xFFFFF000  }
0xa1: {  	_ =	swait.ge [sflag:s29], $0x1000  }
0xa2: {  	[sflag:s29] =	ssyncset.done $0x0  }
0xa3: {  	[sflag:s29] =	ssyncadd.s32 $0xFFFFF000  }
0xa4: {  	_ =	swait.ge [sflag:s2], $0x1000  }
0xa5: {  	[sflag:s2] =	ssyncset.done $0x0  }
0xa6: {  	[sflag:s2] =	ssyncadd.s32 $0xFFFFF000  }
0xa7: {  	_ =	swait.ge [sflag:s25], $0x1000  }
0xa8: {  	s28 =	sadd.s32 $0x1, s28;
	[sflag:s25] =	ssyncset.done $0x0  }
0xa9: {  	p0 =	sne.s32 s28, s11;
	[sflag:s25] =	ssyncadd.s32 $0xFFFFF000  }
.Ltmp1:
0xaa: {  	[bflag:$0x0] =	sbarrier.arrive $0xFFFF;
	(pc) =	sbr.rel @p0 .LBB2_1-.Ltmp1, $4  }
0xab: {  	[hbm:s10], [sflag:s7] =	dma.local [spmem:s14], $0xA00  }
0xac: {  	_ =	swait.ge [sflag:s13], $0xA00  }
0xad: {  	[sflag:s13] =	ssyncset.done $0x0  }
0xae: {  	[sflag:s13] =	ssyncadd.s32 $0xFFFFF600  }
0xaf: {  	_ =	sfence.sel $0x180000  }
0xb0: {  	[bflag:$0x0] =	sbarrier.arrive $0xFFFF  }
0xb1: {  	_ =	strace $0x9000004A  }
0xb2: {  	s0 =	stileid.u32;
	[bflag:$0x2] =	sbarrier.arrive $0xFFFF  }
0xb3: {  	p0 =	sne.s32 s0, $0x0;
	s0 =	rddreg [dreg:$0x4]  }
0xb4: {  	s0 =	sadd.s32 @!p0 $0x100000, s0  }
0xb5: {  	[sflag:s0] =	ssyncadd.tile.s32 @!p0 $0x1;
	_ =	shalt  }
.Lfunc_end2:
_tile_overlayer_lowered:
.L_overlay_start_2:
0xb6: {  	(tag) =	ssettag $0x2  }
0xb7: {  	s0 =	rddreg [dreg:$0x0];
	s2 =	stileid.u32  }
0xb8: {  	s1 =	rddreg [dreg:$0x1];
	p0 =	sne.s32 s2, $0x0  }
0xb9: {  	s3 =	rddreg [dreg:$0x2];
	[bflag:$0x3] =	sbarrier.arrive $0xFFFF;
	s2 =	simm.s32 @!p0 $0x1C09  }
0xba: {  	[timem:s3], [sflag:s2] =	dma.local @!p0 [hbm:s0], s1  }
0xbb: {  	s0 =	simm.s32 @!p0 $0x9  }
0xbc: {  	_ =	swait.ge @!p0 [sflag:s0], s1  }
0xbd: {  	s1 =	ssub.s32 @!p0 $0x0, s1;
	[sflag:s0] =	ssyncset.done @!p0 $0x0  }
0xbe: {  	[sflag:s0] =	ssyncadd.s32 @!p0 s1  }
0xbf: {  	[bflag:$0x3] =	sbarrier.arrive $0xFFFF  }
0xc0: {  	_ =	shalt  }

// kernel: kernel.14.cloned.1.call-start
scs
__scs_entry_jumppad:
0x0: {  	(pc) =	sbr.rel $0x88, $3  }
0x1: {  	(tag) =	ssettag $0x0;
	lr =	simm.s32 $0x1  }
0x2: {  	[smem:$0x3F99] =	sst lr;
	_ =	strace $0xD0000000  }
0x3: {  	_ = 	snop  }
0x4: {  	_ = 	snop  }
0x5: {  	_ = 	snop  }
0x6: {  	_ = 	snop  }
0x7: {  	_ = 	snop  }
__scs_overlays_trampoline_lowered:
0x8: {  	[smem:$0x3FA8] =	sst s0  }
0x9: {  	[smem:$0x3FA9] =	sst s1  }
0xa: {  	[smem:$0x3FAA] =	sst s2  }
0xb: {  	[smem:$0x3FAB] =	sst s3  }
0xc: {  	[smem:$0x3FAC] =	sst s4  }
0xd: {  	[smem:$0x3FAD] =	sst s5  }
0xe: {  	[smem:$0x3FAE] =	sst s6  }
0xf: {  	[smem:$0x3FAF] =	sst s7  }
0x10: {  	[smem:$0x3FB0] =	sst s8  }
0x11: {  	[smem:$0x3FB1] =	sst s9;
	s0 =	simm.s32 @!p0 $0x0  }
0x12: {  	s1 =	sld [smem:$0x3F97];
	s0 =	simm.s32 @p0 $0x1  }
0x13: {  	[smem:$0x3FB2] =	sst s0;
	s0 =	simm.s32 @!p1 $0x0  }
0x14: {  	s2 =	sld [smem:$0x3F96];
	s0 =	simm.s32 @p1 $0x1  }
0x15: {  	[smem:$0x3FB3] =	sst s0;
	s0 =	simm.s32 @!p2 $0x0  }
0x16: {  	s3 =	sld [smem:$0x3FDB];
	s0 =	simm.s32 @p2 $0x1  }
0x17: {  	s4 =	simm.s32 $0x1BF5;
	[smem:$0x3FB5] =	sst s0  }
0x18: {  	s0 =	sld [smem:$0x3F98];
	_ =	swait.ge [sflag:s4], $0x0  }
0x19: {  	s7 =	sld [smem:$0x3F99]  }
0x1a: {  	s8 =	sadd.s32 $0xFFFFE003, lr  }
0x1b: {  	s9 =	sadd.s32 $0xFFFFFEF7, lr;
	s5 =	simm.s32 $0xFFFFFFFF;
	p2 =	slt.u32 s8, $0xFFFFF086  }
0x1c: {  	p1 =	slt.u32 s9, $0xF7A;
	s5 =	simm.s32 @!p2 $0x0  }
0x1d: {  	s5 =	simm.s32 @p1 $0x1;
	p0 =	seq.s32 s7, s2  }
0x1e: {  	s7 =	smul.u32 @!p0 $0xF7A, s2;
	p2 =	seq.s32 @!p0 s5, $0x0  }
0x1f: {  	s9 =	smul.u32 $0xF7A, s1;
	s8 =	simm.s32 @!p0 $0x1BF5;
	p2 =	por !p2, p0  }
0x20: {  	[sflag:s8] =	ssyncset.s32 @!p0 $0xFFFFF086;
	s6 =	sadd.s32 @!p0 s3, s7;
	s7 =	simm.s32 @!p0 $0x108  }
0x21: {  	s3 =	sadd.s32 s3, s9;
	s6 =	sadd.s32 @!p0 $0x88, s6;
	s7 =	simm.s32 @p2 $0x1082  }
0x22: {  	[simem:s7], [sflag:s8] =	dma.local @!p0 [hbm:s6], $0xF7A  }
0x23: {  	s9 =	sor.u32 $0xD0000000, s2;
	s6 =	simm.s32 $0x108;
	_ =	swait.ge @!p0 [sflag:s8], $0x0  }
0x24: {  	s3 =	sadd.s32 $0x88, s3;
	s6 =	simm.s32 @!p1 $0x1082;
	[sflag:s4] =	ssyncset.s32 $0xFFFFF086  }
0x25: {  	[simem:s6], [sflag:s4] =	dma.local [hbm:s3], $0xF7A  }
0x26: {  	[smem:$0x3F99] =	sst s1;
	(tag) =	ssettag s2;
	_ =	strace s9  }
0x27: {  	s1 =	sld [smem:$0x3FA9]  }
0x28: {  	s2 =	sld [smem:$0x3FAA]  }
0x29: {  	s4 =	sld [smem:$0x3FAC]  }
0x2a: {  	p0 =	seq.s32 s5, $0x0;
	s5 =	sld [smem:$0x3FAD]  }
0x2b: {  	s6 =	sld [smem:$0x3FAE]  }
0x2c: {  	s7 =	sld [smem:$0x3FAF]  }
0x2d: {  	s3 =	simm.s32 $0x108;
	s8 =	sld [smem:$0x3FB0]  }
0x2e: {  	s3 =	simm.s32 @!p0 $0x1082;
	s9 =	sld [smem:$0x3FB1]  }
0x2f: {  	lr =	sadd.s32 s0, s3;
	s0 =	sld [smem:$0x3FA8]  }
0x30: {  	s3 =	sld [smem:$0x3FAB]  }
0x31: {  	[smem:$0x3FB4] =	sst s10  }
0x32: {  	s10 =	sld [smem:$0x3FB2];
	_ =	sdelay $0x3  }
0x33: {  	p0 =	seq.s32 s10, $0x1;
	s10 =	sld [smem:$0x3FB4];
	_ =	sdelay $0x3  }
0x34: {  	[smem:$0x3FB4] =	sst s10  }
0x35: {  	s10 =	sld [smem:$0x3FB3];
	_ =	sdelay $0x3  }
0x36: {  	p1 =	seq.s32 s10, $0x1;
	s10 =	sld [smem:$0x3FB4];
	_ =	sdelay $0x3  }
0x37: {  	[smem:$0x3FB4] =	sst s10  }
0x38: {  	s10 =	sld [smem:$0x3FB5]  }
0x39: {  	_ = 	snop;
	(pc) =	sbr.ind lr, $3  }
0x3a: {  	_ = 	snop  }
0x3b: {  	_ = 	snop  }
0x3c: {  	p2 =	seq.s32 s10, $0x1;
	s10 =	sld [smem:$0x3FB4]  }
0x3d: {  	_ =	shalt  }
0x3e: {  	_ =	shalt  }
0x3f: {  	_ =	shalt  }
0x40: {  	_ =	shalt  }
0x41: {  	_ =	shalt  }
0x42: {  	_ =	shalt  }
0x43: {  	_ =	shalt  }
0x44: {  	_ =	shalt  }
0x45: {  	_ =	shalt  }
0x46: {  	_ =	shalt  }
0x47: {  	_ =	shalt  }
0x48: {  	_ =	shalt  }
0x49: {  	_ =	shalt  }
0x4a: {  	_ =	shalt  }
0x4b: {  	_ =	shalt  }
0x4c: {  	_ =	shalt  }
0x4d: {  	_ =	shalt  }
0x4e: {  	_ =	shalt  }
0x4f: {  	_ =	shalt  }
0x50: {  	_ =	shalt  }
0x51: {  	_ =	shalt  }
0x52: {  	_ =	shalt  }
0x53: {  	_ =	shalt  }
0x54: {  	_ =	shalt  }
0x55: {  	_ =	shalt  }
0x56: {  	_ =	shalt  }
0x57: {  	_ =	shalt  }
0x58: {  	_ =	shalt  }
0x59: {  	_ =	shalt  }
0x5a: {  	_ =	shalt  }
0x5b: {  	_ =	shalt  }
0x5c: {  	_ =	shalt  }
0x5d: {  	_ =	shalt  }
0x5e: {  	_ =	shalt  }
0x5f: {  	_ =	shalt  }
0x60: {  	_ =	shalt  }
0x61: {  	_ =	shalt  }
0x62: {  	_ =	shalt  }
0x63: {  	_ =	shalt  }
0x64: {  	_ =	shalt  }
0x65: {  	_ =	shalt  }
0x66: {  	_ =	shalt  }
0x67: {  	_ =	shalt  }
0x68: {  	_ =	shalt  }
0x69: {  	_ =	shalt  }
0x6a: {  	_ =	shalt  }
0x6b: {  	_ =	shalt  }
0x6c: {  	_ =	shalt  }
0x6d: {  	_ =	shalt  }
0x6e: {  	_ =	shalt  }
0x6f: {  	_ =	shalt  }
0x70: {  	_ =	shalt  }
0x71: {  	_ =	shalt  }
0x72: {  	_ =	shalt  }
0x73: {  	_ =	shalt  }
0x74: {  	_ =	shalt  }
0x75: {  	_ =	shalt  }
0x76: {  	_ =	shalt  }
0x77: {  	_ =	shalt  }
0x78: {  	_ =	shalt  }
0x79: {  	_ =	shalt  }
0x7a: {  	_ =	shalt  }
0x7b: {  	_ =	shalt  }
0x7c: {  	_ =	shalt  }
0x7d: {  	_ =	shalt  }
0x7e: {  	_ =	shalt  }
0x7f: {  	_ =	shalt  }
0x80: {  	_ =	shalt  }
0x81: {  	_ =	shalt  }
0x82: {  	_ =	shalt  }
0x83: {  	_ =	shalt  }
0x84: {  	_ =	shalt  }
0x85: {  	_ =	shalt  }
0x86: {  	_ =	shalt  }
0x87: {  	_ =	shalt  }
.Lfunc_end0:
.L_simem_size_0:
called_computation.2_lowered:
.L_overlay_start_0:
0x88: {  	s2 =	sld [smem:$0x3FD9]  }
0x89: {  	s3 =	sld [smem:$0x3FFE];
	_ =	sdelay $0x1  }
0x8a: {  	s1 =	srdreg.scid  }
0x8b: {  	s0 =	sand.u32 $0x1, s1  }
0x8c: {  	s14 =	sshll.u32 s0, $0xA;
	s2 =	sadd.s32 s3, s2  }
0x8d: {  	s2 =	sadd.s32 s2, s14  }
0x8e: {  	[smem:$0x3FC0] =	sst s2  }
0x8f: {  	_ = 	snop  }
0x90: {  	s2 =	sld [smem:$0x3FD0];
	_ =	sdelay $0x2  }
0x91: {  	s15 =	simm.s32 $0xA;
	s4 =	simm.s32 $0x10  }
0x92: {  	[smem:s4], [sflag:s15] =	dma.local [hbm:s2], $0x1  }
0x93: {  	_ =	swait.eq [sflag:s15], $0x1  }
0x94: {  	[sflag:s15] =	ssyncset.done $0x0  }
0x95: {  	[sflag:s15] =	ssyncadd.s32 $0xFFFFFFFF  }
0x96: {  	s16 =	sld [smem:$0x11];
	(tm) =	ssettm $0x1  }
0x97: {  	s17 =	sld [smem:$0x3FFB];
	_ =	sdelay $0x3  }
0x98: {  	_ =	strace s17  }
0x99: {  	s3 =	sld [smem:$0x3FFC];
	_ =	sdelay $0x3  }
0x9a: {  	_ =	strace s3  }
0x9b: {  	s3 =	sld [smem:$0x3FFD];
	_ =	sdelay $0x3  }
0x9c: {  	_ =	strace s3  }
0x9d: {  	_ =	strace $0x8FFFFFFF  }
0x9e: {  	s18 =	sld [smem:$0x3FDB];
	_ =	sdelay $0x1  }
0x9f: {  	s19 =	simm.s32 $_scs_section_size  }
0xa0: {  	s5 =	simm.s32 $_size__tile_overlayer_lowered;
	s6 =	simm.s32 $_tile_overlayer_lowered  }
0xa1: {  	s22 =	simm.s32 $0x1BFF;
	s21 =	sshll.u32 s6, $0x1;
	s3 =	sadd.s32 s19, s18  }
0xa2: {  	s7 =	simm.s32 $0x0;
	s20 =	sshll.u32 s5, $0x1;
	s5 =	sadd.s32 s21, s3  }
0xa3: {  	[timem:s7], [sflag:s22] =	dma.local [hbm:s5], s20  }
0xa4: {  	_ =	swait.ge [sflag:s22], s20  }
0xa5: {  	s4 =	ssub.s32 $0x0, s20;
	[sflag:s22] =	ssyncset.done $0x0  }
0xa6: {  	[sflag:s22] =	ssyncadd.s32 s4;
	_ =	sdelay $0x1  }
0xa7: {  	s23 =	simm.s32 $0x1B8B  }
0xa8: {  	_ =	swait.ge [sflag:s23], $0x1  }
0xa9: {  	[sflag:s23] =	ssyncset.done $0x0  }
0xaa: {  	s25 =	simm.s32 $0x1B8E;
	s24 =	sld [smem:$0x3FFE];
	[sflag:s23] =	ssyncadd.s32 $0xFFFFFFFF  }
0xab: {  	s26 =	simm.s32 $execute0_lowered;
	[smem:$0x3FD2] =	sst s25  }
0xac: {  	s5 =	sshll.u32 s26, $0x1;
	_ =	strace $0x8000004C;
	[dreg:$0x1] =	wrdreg $0xFFFFFFFF  }
0xad: {  	s28 =	simm.s32 $_size_execute0_lowered;
	s3 =	sadd.s32 s3, s5;
	[dreg:$0x0] =	wrdreg $0x0  }
0xae: {  	s5 =	sshll.u32 s28, $0x1;
	[dreg:$0x2] =	wrdreg s3  }
0xaf: {  	[dreg:$0x3] =	wrdreg s5  }
0xb0: {  	[dreg:$0x4] =	wrdreg $0xC0  }
0xb1: {  	_ =	task [dreg:s7], $0x5FFFF  }
0xb2: {  	[dreg:$0x1] =	wrdreg $0xFFFFFFFF  }
0xb3: {  	[dreg:$0x0] =	wrdreg $0x60  }
0xb4: {  	[dreg:$0x2] =	wrdreg s24  }
0xb5: {  	[dreg:$0x3] =	wrdreg s16  }
0xb6: {  	[dreg:$0x4] =	wrdreg $0xE0000  }
0xb7: {  	[dreg:$0x5] =	wrdreg $0x90000  }
0xb8: {  	[dreg:$0x6] =	wrdreg $0x9  }
0xb9: {  	_ =	task.clear_ibuf [dreg:s7], $0x7FFFF;
	_ =	strace $0x9000004C  }
0xba: {  	s29 =	simm.s32 $0x9;
	_ =	strace $0x8000004E  }
0xbb: {  	_ =	swait.ge [sflag:s29], $0x1  }
0xbc: {  	[sflag:s29] =	ssyncadd.s32 $0xFFFFFFFF  }
0xbd: {  	_ =	strace $0x9000004E  }
0xbe: {  	_ =	sfence  }
0xbf: {  	s30 =	sld [smem:$0x0];
	_ =	sdelay $0x2  }
0xc0: {  	s31 =	sshll.u32 s1, $0xD;
	s1 =	sshrl.u32 s1, $0x2  }
0xc1: {  	s3 =	sand.u32 $0x4000, s31;
	s1 =	sadd.s32 s1, s30  }
0xc2: {  	s0 =	sor.u32 s3, s0;
	s1 =	sshll.u32 s1, $0x11  }
0xc3: {  	s0 =	sor.u32 s1, s0  }
0xc4: {  	s0 =	sadd.s32 $0x8F2B, s0  }
0xc5: {  	[sflag:s0] =	ssyncadd.remote.s32 $0x1  }
0xc6: {  	_ =	sfence.sel $0xFFFF  }
0xc7: {  	[dreg:$0x0] =	wrdreg $0xFFFFFFFF;
	(pc) =	sbr.abs _section_cstart, $3  }
0xc8: {  	[dreg:$0x1] =	wrdreg $0xFFFFFFFF  }
0xc9: {  	_ =	task.clear_ibuf [dreg:s7], $0x2FFFF;
	_ =	strace $0x9FFFFFFF  }
0xca: {  	(tm) =	ssettm $0x7FFFFFFF  }
0xcb: {  	_ =	shalt  }
tec
execute0_lowered:
.L_overlay_start_1:
0x0: {  	(tag) =	ssettag $0x1  }
0x1: {  	s0 =	rddreg [dreg:$0x0]  }
0x2: {  	s3 =	rddreg [dreg:$0x2]  }
0x3: {  	s4 =	rddreg [dreg:$0x3]  }
0x4: {  	s1 =	srdreg.scid;
	s10 =	stileid.u32;
	s5 =	simm.s32 $0x0  }
0x5: {  	s13 =	simm.s32 $0x9;
	s15 =	simm.s32 $0x2800;
	s16 =	simm.s32 $0x80  }
0x6: {  	s17 =	simm.s32 $0x5000;
	s18 =	simm.s32 $0x6000;
	s20 =	simm.s32 $0x7000  }
0x7: {  	s22 =	simm.s32 $0x8000;
	s23 =	simm.s32 $0x1;
	s24 =	simm.s32 $0x5  }
0x8: {  	s29 =	simm.s32 $0x6;
	s31 =	simm.s32 $0x3;
	s19 =	simm.s32 $0x4  }
0x9: {  	s21 =	simm.s32 $0x4F80;
	s28 =	simm.s32 $0x0;
	s1 =	sand.u32 $0x1, s1  }
0xa: {  	s2 =	smul.u32 $0x5000, s10;
	[smem:$0x7FF] =	sst s5;
	s30 =	sshll.u32 s10, $0x6  }
0xb: {  	s6 =	sshll.u32 s1, $0x4;
	s7 =	smul.u32 $0x50000, s1;
	_ =	strace $0x8000004D  }
0xc: {  	s1 =	ssub.s32 $0x2, s1;
	s6 =	sor.u32 s10, s6;
	s8 =	sshrl.u32 s2, $0x3  }
0xd: {  	s26 =	sshrl.u32 s1, $0x1;
	s12 =	sadd.s32 s2, s3;
	s6 =	smul.u32 $0x500, s6  }
0xe: {  	s8 =	sadd.s32 s8, s0;
	s7 =	sadd.s32 s2, s7;
	s1 =	ssub.s32 s1, s26  }
0xf: {  	s2 =	sadd.s32 s2, s4;
	s12 =	sshrl.u32 s12, $0x3;
	s26 =	simm.s32 $0x2  }
0x10: {  	s25 =	sshrl.u32 s7, $0x3;
	s7 =	sor.u32 $0x1C09, s30;
	s11 =	smax.u32 s1, $0x1  }
0x11: {  	s14 =	sshrl.u32 s2, $0x3;
	s2 =	simm.s32 $0x7;
	s9 =	sadd.s32 s6, s0  }
0x12: {  	s0 =	sadd.s32 s25, s0;
	s6 =	sadd.s32 $0x93600, s8;
	s25 =	simm.s32 $0x8  }
0x13: {  	s8 =	sadd.s32 $0x11600, s9;
	s9 =	sadd.s32 $0x2600, s9;
	s10 =	sadd.s32 $0x9D600, s0  }
.LBB2_1:
0x14: {  	[spmem:s12], [sflag:s7] =	dma.local [hbm:s6], $0xA00  }
0x15: {  	_ =	swait.ge [sflag:s13], $0xA00  }
0x16: {  	[sflag:s13] =	ssyncset.done $0x0  }
0x17: {  	[sflag:s13] =	ssyncadd.s32 $0xFFFFF600  }
0x18: {  	s0 =	rddreg [dreg:$0x1]  }
0x19: {  	[spmem:s14], [sflag:s7] =	dma.local [hbm:s0], $0xA00  }
0x1a: {  	_ =	swait.ge [sflag:s13], $0xA00  }
0x1b: {  	[sflag:s13] =	ssyncset.done $0x0  }
0x1c: {  	[sflag:s13] =	ssyncadd.s32 $0xFFFFF600  }
0x1d: {  	[tilespmem:s5], [sflag:$0x9] =	stream.linear.gather [hbm4b:s8+s5], $0x2800, $0x38;
	[tilespmem:$0x13000] =	vst v63  }
0x1e: {  	_ =	swait.ge [sflag:s13], $0x2800  }
0x1f: {  	[sflag:s13] =	ssyncset.done $0x0  }
0x20: {  	[sflag:s13] =	ssyncadd.s32 $0xFFFFD800  }
0x21: {  	[tilespmem:s15], [sflag:$0x9] =	stream.linear.gather [hbm4b:s9+s5], $0x2800, $0x38;
	[tilespmem:$0x13000] =	vst v63  }
0x22: {  	_ =	swait.ge [sflag:s13], $0x2800  }
0x23: {  	[sflag:s13] =	ssyncset.done $0x0  }
0x24: {  	[sflag:s13] =	ssyncadd.s32 $0xFFFFD800  }
0x25: {  	[bflag:$0x0] =	sbarrier.arrive $0xFFFF  }
0x26: {  	[tilespmem:s17], [sflag:$0x1] =	stream.indirect.gather [spmem:s3], $0x20, s5, s16, $0xb8;
	[tilespmem:$0x13000] =	vst v63  }
0x27: {  	_ = 	snop  }
0x28: {  	[tilespmem:s18], [sflag:$0x2] =	stream.indirect.gather [spmem:s3], $0x20, s16, s16, $0xb8;
	[tilespmem:$0x13000] =	vst v63  }
0x29: {  	s1 =	simm.s32 $0x100  }
0x2a: {  	[tilespmem:s20], [sflag:$0x3] =	stream.indirect.gather [spmem:s3], $0x20, s1, s16, $0xb8;
	[tilespmem:$0x13000] =	vst v63  }
0x2b: {  	s1 =	simm.s32 $0x180  }
0x2c: {  	[tilespmem:s22], [sflag:$0x4] =	stream.indirect.gather [spmem:s3], $0x20, s1, s16, $0xb8;
	[tilespmem:$0x13000] =	vst v63  }
0x2d: {  	_ =	swait.ge [sflag:s23], $0x1000  }
0x2e: {  	[sflag:s23] =	ssyncset.done $0x0  }
0x2f: {  	[sflag:s23] =	ssyncadd.s32 $0xFFFFF000  }
0x30: {  	[spmem:s4] =	stream.indirect.scatter.add.f32 [tilespmem:s17], [sflag:$0x5], $0x20, s15, s16, $0xb8;
	[tilespmem:$0x13000] =	vst v63  }
0x31: {  	_ =	swait.ge [sflag:s24], $0x1000  }
0x32: {  	[sflag:s24] =	ssyncset.done $0x0  }
0x33: {  	s1 =	simm.s32 $0x200;
	[sflag:s24] =	ssyncadd.s32 $0xFFFFF000  }
0x34: {  	[tilespmem:s17], [sflag:$0x1] =	stream.indirect.gather [spmem:s3], $0x20, s1, s16, $0xb8;
	[tilespmem:$0x13000] =	vst v63  }
0x35: {  	_ =	swait.ge [sflag:s26], $0x1000  }
0x36: {  	[sflag:s26] =	ssyncset.done $0x0  }
0x37: {  	s1 =	simm.s32 $0x2880;
	[sflag:s26] =	ssyncadd.s32 $0xFFFFF000  }
0x38: {  	[spmem:s4] =	stream.indirect.scatter.add.f32 [tilespmem:s18], [sflag:$0x6], $0x20, s1, s16, $0xb8;
	[tilespmem:$0x13000] =	vst v63  }
0x39: {  	_ =	swait.ge [sflag:s29], $0x1000  }
0x3a: {  	[sflag:s29] =	ssyncset.done $0x0  }
0x3b: {  	s1 =	simm.s32 $0x280;
	[sflag:s29] =	ssyncadd.s32 $0xFFFFF000  }
0x3c: {  	[tilespmem:s18], [sflag:$0x2] =	stream.indirect.gather [spmem:s3], $0x20, s1, s16, $0xb8;
	[tilespmem:$0x13000] =	vst v63  }
0x3d: {  	_ =	swait.ge [sflag:s31], $0x1000  }
0x3e: {  	[sflag:s31] =	ssyncset.done $0x0  }
0x3f: {  	s1 =	simm.s32 $0x2900;
	[sflag:s31] =	ssyncadd.s32 $0xFFFFF000  }
0x40: {  	[spmem:s4] =	stream.indirect.scatter.add.f32 [tilespmem:s20], [sflag:$0x7], $0x20, s1, s16, $0xb8;
	[tilespmem:$0x13000] =	vst v63  }
0x41: {  	_ =	swait.ge [sflag:s2], $0x1000  }
0x42: {  	[sflag:s2] =	ssyncset.done $0x0  }
0x43: {  	s1 =	simm.s32 $0x300;
	[sflag:s2] =	ssyncadd.s32 $0xFFFFF000  }
0x44: {  	[tilespmem:s20], [sflag:$0x3] =	stream.indirect.gather [spmem:s3], $0x20, s1, s16, $0xb8;
	[tilespmem:$0x13000] =	vst v63  }
0x45: {  	_ =	swait.ge [sflag:s19], $0x1000  }
0x46: {  	[sflag:s19] =	ssyncset.done $0x0  }
0x47: {  	s1 =	simm.s32 $0x2980;
	[sflag:s19] =	ssyncadd.s32 $0xFFFFF000  }
0x48: {  	[spmem:s4] =	stream.indirect.scatter.add.f32 [tilespmem:s22], [sflag:$0x8], $0x20, s1, s16, $0xb8;
	[tilespmem:$0x13000] =	vst v63  }
0x49: {  	_ =	swait.ge [sflag:s25], $0x1000  }
0x4a: {  	[sflag:s25] =	ssyncset.done $0x0  }
0x4b: {  	s1 =	simm.s32 $0x380;
	[sflag:s25] =	ssyncadd.s32 $0xFFFFF000  }
0x4c: {  	[tilespmem:s22], [sflag:$0x4] =	stream.indirect.gather [spmem:s3], $0x20, s1, s16, $0xb8;
	[tilespmem:$0x13000] =	vst v63  }
0x4d: {  	_ =	swait.ge [sflag:s23], $0x1000  }
0x4e: {  	[sflag:s23] =	ssyncset.done $0x0  }
0x4f: {  	s1 =	simm.s32 $0x2A00;
	[sflag:s23] =	ssyncadd.s32 $0xFFFFF000  }
0x50: {  	[spmem:s4] =	stream.indirect.scatter.add.f32 [tilespmem:s17], [sflag:$0x5], $0x20, s1, s16, $0xb8;
	[tilespmem:$0x13000] =	vst v63  }
0x51: {  	_ =	swait.ge [sflag:s24], $0x1000  }
0x52: {  	[sflag:s24] =	ssyncset.done $0x0  }
0x53: {  	s1 =	simm.s32 $0x400;
	[sflag:s24] =	ssyncadd.s32 $0xFFFFF000  }
0x54: {  	[tilespmem:s17], [sflag:$0x1] =	stream.indirect.gather [spmem:s3], $0x20, s1, s16, $0xb8;
	[tilespmem:$0x13000] =	vst v63  }
0x55: {  	_ =	swait.ge [sflag:s26], $0x1000  }
0x56: {  	[sflag:s26] =	ssyncset.done $0x0  }
0x57: {  	s1 =	simm.s32 $0x2A80;
	[sflag:s26] =	ssyncadd.s32 $0xFFFFF000  }
0x58: {  	[spmem:s4] =	stream.indirect.scatter.add.f32 [tilespmem:s18], [sflag:$0x6], $0x20, s1, s16, $0xb8;
	[tilespmem:$0x13000] =	vst v63  }
0x59: {  	_ =	swait.ge [sflag:s29], $0x1000  }
0x5a: {  	[sflag:s29] =	ssyncset.done $0x0  }
0x5b: {  	s1 =	simm.s32 $0x480;
	[sflag:s29] =	ssyncadd.s32 $0xFFFFF000  }
0x5c: {  	[tilespmem:s18], [sflag:$0x2] =	stream.indirect.gather [spmem:s3], $0x20, s1, s16, $0xb8;
	[tilespmem:$0x13000] =	vst v63  }
0x5d: {  	_ =	swait.ge [sflag:s31], $0x1000  }
0x5e: {  	[sflag:s31] =	ssyncset.done $0x0  }
0x5f: {  	s1 =	simm.s32 $0x2B00;
	[sflag:s31] =	ssyncadd.s32 $0xFFFFF000  }
0x60: {  	[spmem:s4] =	stream.indirect.scatter.add.f32 [tilespmem:s20], [sflag:$0x7], $0x20, s1, s16, $0xb8;
	[tilespmem:$0x13000] =	vst v63  }
0x61: {  	_ =	swait.ge [sflag:s2], $0x1000  }
0x62: {  	[sflag:s2] =	ssyncset.done $0x0  }
0x63: {  	s1 =	simm.s32 $0x500;
	[sflag:s2] =	ssyncadd.s32 $0xFFFFF000  }
0x64: {  	[tilespmem:s20], [sflag:$0x3] =	stream.indirect.gather [spmem:s3], $0x20, s1, s16, $0xb8;
	[tilespmem:$0x13000] =	vst v63  }
0x65: {  	_ =	swait.ge [sflag:s19], $0x1000  }
0x66: {  	[sflag:s19] =	ssyncset.done $0x0  }
0x67: {  	s30 =	simm.s32 $0x800;
	s0 =	simm.s32 $0x2B80;
	[sflag:s19] =	ssyncadd.s32 $0xFFFFF000  }
.LBB2_2:
0x68: {  	[spmem:s4] =	stream.indirect.scatter.add.f32 [tilespmem:s22], [sflag:$0x8], $0x20, s0, s16, $0xb8;
	[tilespmem:$0x13000] =	vst v63  }
0x69: {  	s0 =	smov.u32 s30  }
0x6a: {  	p0 =	sne.s32 s30, $0x8800;
	s30 =	sadd.s32 $0x800, s30;
	_ =	swait.ge [sflag:s25], $0x1000  }
0x6b: {  	s0 =	sshra.s32 s0, $0x2;
	[sflag:s25] =	ssyncset.done $0x0  }
0x6c: {  	s1 =	sadd.s32 $0x380, s0;
	[sflag:s25] =	ssyncadd.s32 $0xFFFFF000  }
0x6d: {  	[tilespmem:s22], [sflag:$0x4] =	stream.indirect.gather [spmem:s3], $0x20, s1, s16, $0xb8;
	[tilespmem:$0x13000] =	vst v63  }
0x6e: {  	_ =	swait.ge [sflag:s23], $0x1000  }
0x6f: {  	[sflag:s23] =	ssyncset.done $0x0  }
0x70: {  	s1 =	sadd.s32 $0x2A00, s0;
	[sflag:s23] =	ssyncadd.s32 $0xFFFFF000  }
0x71: {  	[spmem:s4] =	stream.indirect.scatter.add.f32 [tilespmem:s17], [sflag:$0x5], $0x20, s1, s16, $0xb8;
	[tilespmem:$0x13000] =	vst v63  }
0x72: {  	_ =	swait.ge [sflag:s24], $0x1000  }
0x73: {  	[sflag:s24] =	ssyncset.done $0x0  }
0x74: {  	s1 =	sadd.s32 $0x400, s0;
	[sflag:s24] =	ssyncadd.s32 $0xFFFFF000  }
0x75: {  	[tilespmem:s17], [sflag:$0x1] =	stream.indirect.gather [spmem:s3], $0x20, s1, s16, $0xb8;
	[tilespmem:$0x13000] =	vst v63  }
0x76: {  	_ =	swait.ge [sflag:s26], $0x1000  }
0x77: {  	[sflag:s26] =	ssyncset.done $0x0  }
0x78: {  	s1 =	sadd.s32 $0x2A80, s0;
	[sflag:s26] =	ssyncadd.s32 $0xFFFFF000  }
0x79: {  	[spmem:s4] =	stream.indirect.scatter.add.f32 [tilespmem:s18], [sflag:$0x6], $0x20, s1, s16, $0xb8;
	[tilespmem:$0x13000] =	vst v63  }
0x7a: {  	_ =	swait.ge [sflag:s29], $0x1000  }
0x7b: {  	[sflag:s29] =	ssyncset.done $0x0  }
0x7c: {  	s1 =	sadd.s32 $0x480, s0;
	[sflag:s29] =	ssyncadd.s32 $0xFFFFF000  }
0x7d: {  	[tilespmem:s18], [sflag:$0x2] =	stream.indirect.gather [spmem:s3], $0x20, s1, s16, $0xb8;
	[tilespmem:$0x13000] =	vst v63  }
0x7e: {  	_ =	swait.ge [sflag:s31], $0x1000  }
0x7f: {  	[sflag:s31] =	ssyncset.done $0x0  }
0x80: {  	s1 =	sadd.s32 $0x2B00, s0;
	[sflag:s31] =	ssyncadd.s32 $0xFFFFF000  }
0x81: {  	[spmem:s4] =	stream.indirect.scatter.add.f32 [tilespmem:s20], [sflag:$0x7], $0x20, s1, s16, $0xb8;
	[tilespmem:$0x13000] =	vst v63  }
0x82: {  	_ =	swait.ge [sflag:s2], $0x1000  }
0x83: {  	[sflag:s2] =	ssyncset.done $0x0  }
.Ltmp0:
0x84: {  	s1 =	sadd.s32 $0x500, s0;
	[sflag:s2] =	ssyncadd.s32 $0xFFFFF000;
	(pc) =	sbr.rel @p0 .LBB2_2-.Ltmp0, $4  }
0x85: {  	[tilespmem:s20], [sflag:$0x3] =	stream.indirect.gather [spmem:s3], $0x20, s1, s16, $0xb8;
	[tilespmem:$0x13000] =	vst v63  }
0x86: {  	_ =	swait.ge [sflag:s19], $0x1000  }
0x87: {  	[sflag:s19] =	ssyncset.done $0x0  }
0x88: {  	s0 =	sadd.s32 $0x2B80, s0;
	[sflag:s19] =	ssyncadd.s32 $0xFFFFF000  }
0x89: {  	[spmem:s4] =	stream.indirect.scatter.add.f32 [tilespmem:s22], [sflag:$0x8], $0x20, s0, s16, $0xb8;
	[tilespmem:$0x13000] =	vst v63  }
0x8a: {  	_ =	swait.ge [sflag:s25], $0x1000  }
0x8b: {  	[sflag:s25] =	ssyncset.done $0x0  }
0x8c: {  	s1 =	simm.s32 $0x2780;
	[sflag:s25] =	ssyncadd.s32 $0xFFFFF000  }
0x8d: {  	[tilespmem:s22], [sflag:$0x4] =	stream.indirect.gather [spmem:s3], $0x20, s1, s16, $0xb8;
	[tilespmem:$0x13000] =	vst v63  }
0x8e: {  	_ =	swait.ge [sflag:s23], $0x1000  }
0x8f: {  	[sflag:s23] =	ssyncset.done $0x0  }
0x90: {  	s30 =	simm.s32 $0x4E00;
	[sflag:s23] =	ssyncadd.s32 $0xFFFFF000  }
0x91: {  	[spmem:s4] =	stream.indirect.scatter.add.f32 [tilespmem:s17], [sflag:$0x5], $0x20, s30, s16, $0xb8;
	[tilespmem:$0x13000] =	vst v63  }
0x92: {  	_ =	swait.ge [sflag:s26], $0x1000  }
0x93: {  	[sflag:s26] =	ssyncset.done $0x0  }
0x94: {  	s1 =	simm.s32 $0x4E80;
	[sflag:s26] =	ssyncadd.s32 $0xFFFFF000  }
0x95: {  	[spmem:s4] =	stream.indirect.scatter.add.f32 [tilespmem:s18], [sflag:$0x6], $0x20, s1, s16, $0xb8;
	[tilespmem:$0x13000] =	vst v63  }
0x96: {  	_ =	swait.ge [sflag:s31], $0x1000  }
0x97: {  	[sflag:s31] =	ssyncset.done $0x0  }
0x98: {  	s30 =	simm.s32 $0x4F00;
	[sflag:s31] =	ssyncadd.s32 $0xFFFFF000  }
0x99: {  	[spmem:s4] =	stream.indirect.scatter.add.f32 [tilespmem:s20], [sflag:$0x7], $0x20, s30, s16, $0xb8;
	[tilespmem:$0x13000] =	vst v63  }
0x9a: {  	_ =	swait.ge [sflag:s19], $0x1000  }
0x9b: {  	[sflag:s19] =	ssyncset.done $0x0  }
0x9c: {  	[sflag:s19] =	ssyncadd.s32 $0xFFFFF000  }
0x9d: {  	[spmem:s4] =	stream.indirect.scatter.add.f32 [tilespmem:s22], [sflag:$0x8], $0x20, s21, s16, $0xb8;
	[tilespmem:$0x13000] =	vst v63  }
0x9e: {  	_ =	swait.ge [sflag:s24], $0x1000  }
0x9f: {  	[sflag:s24] =	ssyncset.done $0x0  }
0xa0: {  	[sflag:s24] =	ssyncadd.s32 $0xFFFFF000  }
0xa1: {  	_ =	swait.ge [sflag:s29], $0x1000  }
0xa2: {  	[sflag:s29] =	ssyncset.done $0x0  }
0xa3: {  	[sflag:s29] =	ssyncadd.s32 $0xFFFFF000  }
0xa4: {  	_ =	swait.ge [sflag:s2], $0x1000  }
0xa5: {  	[sflag:s2] =	ssyncset.done $0x0  }
0xa6: {  	[sflag:s2] =	ssyncadd.s32 $0xFFFFF000  }
0xa7: {  	_ =	swait.ge [sflag:s25], $0x1000  }
0xa8: {  	s28 =	sadd.s32 $0x1, s28;
	[sflag:s25] =	ssyncset.done $0x0  }
0xa9: {  	p0 =	sne.s32 s28, s11;
	[sflag:s25] =	ssyncadd.s32 $0xFFFFF000  }
.Ltmp1:
0xaa: {  	[bflag:$0x0] =	sbarrier.arrive $0xFFFF;
	(pc) =	sbr.rel @p0 .LBB2_1-.Ltmp1, $4  }
0xab: {  	[hbm:s10], [sflag:s7] =	dma.local [spmem:s14], $0xA00  }
0xac: {  	_ =	swait.ge [sflag:s13], $0xA00  }
0xad: {  	[sflag:s13] =	ssyncset.done $0x0  }
0xae: {  	[sflag:s13] =	ssyncadd.s32 $0xFFFFF600  }
0xaf: {  	_ =	sfence.sel $0x180000  }
0xb0: {  	[bflag:$0x0] =	sbarrier.arrive $0xFFFF  }
0xb1: {  	_ =	strace $0x9000004D  }
0xb2: {  	s0 =	stileid.u32;
	[bflag:$0x2] =	sbarrier.arrive $0xFFFF  }
0xb3: {  	p0 =	sne.s32 s0, $0x0;
	s0 =	rddreg [dreg:$0x4]  }
0xb4: {  	s0 =	sadd.s32 @!p0 $0x100000, s0  }
0xb5: {  	[sflag:s0] =	ssyncadd.tile.s32 @!p0 $0x1;
	_ =	shalt  }
.Lfunc_end2:
_tile_overlayer_lowered:
.L_overlay_start_2:
0xb6: {  	(tag) =	ssettag $0x2  }
0xb7: {  	s0 =	rddreg [dreg:$0x0];
	s2 =	stileid.u32  }
0xb8: {  	s1 =	rddreg [dreg:$0x1];
	p0 =	sne.s32 s2, $0x0  }
0xb9: {  	s3 =	rddreg [dreg:$0x2];
	[bflag:$0x3] =	sbarrier.arrive $0xFFFF;
	s2 =	simm.s32 @!p0 $0x1C09  }
0xba: {  	[timem:s3], [sflag:s2] =	dma.local @!p0 [hbm:s0], s1  }
0xbb: {  	s0 =	simm.s32 @!p0 $0x9  }
0xbc: {  	_ =	swait.ge @!p0 [sflag:s0], s1  }
0xbd: {  	s1 =	ssub.s32 @!p0 $0x0, s1;
	[sflag:s0] =	ssyncset.done @!p0 $0x0  }
0xbe: {  	[sflag:s0] =	ssyncadd.s32 @!p0 s1  }
0xbf: {  	[bflag:$0x3] =	sbarrier.arrive $0xFFFF  }
0xc0: {  	_ =	shalt  }

// kernel: kernel.8.cloned.1.call-start
scs
__scs_entry_jumppad:
0x0: {  	(pc) =	sbr.rel $0x88, $3  }
0x1: {  	(tag) =	ssettag $0x0;
	lr =	simm.s32 $0x1  }
0x2: {  	[smem:$0x3F99] =	sst lr;
	_ =	strace $0xD0000000  }
0x3: {  	_ = 	snop  }
0x4: {  	_ = 	snop  }
0x5: {  	_ = 	snop  }
0x6: {  	_ = 	snop  }
0x7: {  	_ = 	snop  }
__scs_overlays_trampoline_lowered:
0x8: {  	[smem:$0x3FA8] =	sst s0  }
0x9: {  	[smem:$0x3FA9] =	sst s1  }
0xa: {  	[smem:$0x3FAA] =	sst s2  }
0xb: {  	[smem:$0x3FAB] =	sst s3  }
0xc: {  	[smem:$0x3FAC] =	sst s4  }
0xd: {  	[smem:$0x3FAD] =	sst s5  }
0xe: {  	[smem:$0x3FAE] =	sst s6  }
0xf: {  	[smem:$0x3FAF] =	sst s7  }
0x10: {  	[smem:$0x3FB0] =	sst s8  }
0x11: {  	[smem:$0x3FB1] =	sst s9;
	s0 =	simm.s32 @!p0 $0x0  }
0x12: {  	s1 =	sld [smem:$0x3F97];
	s0 =	simm.s32 @p0 $0x1  }
0x13: {  	[smem:$0x3FB2] =	sst s0;
	s0 =	simm.s32 @!p1 $0x0  }
0x14: {  	s2 =	sld [smem:$0x3F96];
	s0 =	simm.s32 @p1 $0x1  }
0x15: {  	[smem:$0x3FB3] =	sst s0;
	s0 =	simm.s32 @!p2 $0x0  }
0x16: {  	s3 =	sld [smem:$0x3FDB];
	s0 =	simm.s32 @p2 $0x1  }
0x17: {  	s4 =	simm.s32 $0x1BF5;
	[smem:$0x3FB5] =	sst s0  }
0x18: {  	s0 =	sld [smem:$0x3F98];
	_ =	swait.ge [sflag:s4], $0x0  }
0x19: {  	s7 =	sld [smem:$0x3F99]  }
0x1a: {  	s8 =	sadd.s32 $0xFFFFE003, lr  }
0x1b: {  	s9 =	sadd.s32 $0xFFFFFEF7, lr;
	s5 =	simm.s32 $0xFFFFFFFF;
	p2 =	slt.u32 s8, $0xFFFFF086  }
0x1c: {  	p1 =	slt.u32 s9, $0xF7A;
	s5 =	simm.s32 @!p2 $0x0  }
0x1d: {  	s5 =	simm.s32 @p1 $0x1;
	p0 =	seq.s32 s7, s2  }
0x1e: {  	s7 =	smul.u32 @!p0 $0xF7A, s2;
	p2 =	seq.s32 @!p0 s5, $0x0  }
0x1f: {  	s9 =	smul.u32 $0xF7A, s1;
	s8 =	simm.s32 @!p0 $0x1BF5;
	p2 =	por !p2, p0  }
0x20: {  	[sflag:s8] =	ssyncset.s32 @!p0 $0xFFFFF086;
	s6 =	sadd.s32 @!p0 s3, s7;
	s7 =	simm.s32 @!p0 $0x108  }
0x21: {  	s3 =	sadd.s32 s3, s9;
	s6 =	sadd.s32 @!p0 $0x88, s6;
	s7 =	simm.s32 @p2 $0x1082  }
0x22: {  	[simem:s7], [sflag:s8] =	dma.local @!p0 [hbm:s6], $0xF7A  }
0x23: {  	s9 =	sor.u32 $0xD0000000, s2;
	s6 =	simm.s32 $0x108;
	_ =	swait.ge @!p0 [sflag:s8], $0x0  }
0x24: {  	s3 =	sadd.s32 $0x88, s3;
	s6 =	simm.s32 @!p1 $0x1082;
	[sflag:s4] =	ssyncset.s32 $0xFFFFF086  }
0x25: {  	[simem:s6], [sflag:s4] =	dma.local [hbm:s3], $0xF7A  }
0x26: {  	[smem:$0x3F99] =	sst s1;
	(tag) =	ssettag s2;
	_ =	strace s9  }
0x27: {  	s1 =	sld [smem:$0x3FA9]  }
0x28: {  	s2 =	sld [smem:$0x3FAA]  }
0x29: {  	s4 =	sld [smem:$0x3FAC]  }
0x2a: {  	p0 =	seq.s32 s5, $0x0;
	s5 =	sld [smem:$0x3FAD]  }
0x2b: {  	s6 =	sld [smem:$0x3FAE]  }
0x2c: {  	s7 =	sld [smem:$0x3FAF]  }
0x2d: {  	s3 =	simm.s32 $0x108;
	s8 =	sld [smem:$0x3FB0]  }
0x2e: {  	s3 =	simm.s32 @!p0 $0x1082;
	s9 =	sld [smem:$0x3FB1]  }
0x2f: {  	lr =	sadd.s32 s0, s3;
	s0 =	sld [smem:$0x3FA8]  }
0x30: {  	s3 =	sld [smem:$0x3FAB]  }
0x31: {  	[smem:$0x3FB4] =	sst s10  }
0x32: {  	s10 =	sld [smem:$0x3FB2];
	_ =	sdelay $0x3  }
0x33: {  	p0 =	seq.s32 s10, $0x1;
	s10 =	sld [smem:$0x3FB4];
	_ =	sdelay $0x3  }
0x34: {  	[smem:$0x3FB4] =	sst s10  }
0x35: {  	s10 =	sld [smem:$0x3FB3];
	_ =	sdelay $0x3  }
0x36: {  	p1 =	seq.s32 s10, $0x1;
	s10 =	sld [smem:$0x3FB4];
	_ =	sdelay $0x3  }
0x37: {  	[smem:$0x3FB4] =	sst s10  }
0x38: {  	s10 =	sld [smem:$0x3FB5]  }
0x39: {  	_ = 	snop;
	(pc) =	sbr.ind lr, $3  }
0x3a: {  	_ = 	snop  }
0x3b: {  	_ = 	snop  }
0x3c: {  	p2 =	seq.s32 s10, $0x1;
	s10 =	sld [smem:$0x3FB4]  }
0x3d: {  	_ =	shalt  }
0x3e: {  	_ =	shalt  }
0x3f: {  	_ =	shalt  }
0x40: {  	_ =	shalt  }
0x41: {  	_ =	shalt  }
0x42: {  	_ =	shalt  }
0x43: {  	_ =	shalt  }
0x44: {  	_ =	shalt  }
0x45: {  	_ =	shalt  }
0x46: {  	_ =	shalt  }
0x47: {  	_ =	shalt  }
0x48: {  	_ =	shalt  }
0x49: {  	_ =	shalt  }
0x4a: {  	_ =	shalt  }
0x4b: {  	_ =	shalt  }
0x4c: {  	_ =	shalt  }
0x4d: {  	_ =	shalt  }
0x4e: {  	_ =	shalt  }
0x4f: {  	_ =	shalt  }
0x50: {  	_ =	shalt  }
0x51: {  	_ =	shalt  }
0x52: {  	_ =	shalt  }
0x53: {  	_ =	shalt  }
0x54: {  	_ =	shalt  }
0x55: {  	_ =	shalt  }
0x56: {  	_ =	shalt  }
0x57: {  	_ =	shalt  }
0x58: {  	_ =	shalt  }
0x59: {  	_ =	shalt  }
0x5a: {  	_ =	shalt  }
0x5b: {  	_ =	shalt  }
0x5c: {  	_ =	shalt  }
0x5d: {  	_ =	shalt  }
0x5e: {  	_ =	shalt  }
0x5f: {  	_ =	shalt  }
0x60: {  	_ =	shalt  }
0x61: {  	_ =	shalt  }
0x62: {  	_ =	shalt  }
0x63: {  	_ =	shalt  }
0x64: {  	_ =	shalt  }
0x65: {  	_ =	shalt  }
0x66: {  	_ =	shalt  }
0x67: {  	_ =	shalt  }
0x68: {  	_ =	shalt  }
0x69: {  	_ =	shalt  }
0x6a: {  	_ =	shalt  }
0x6b: {  	_ =	shalt  }
0x6c: {  	_ =	shalt  }
0x6d: {  	_ =	shalt  }
0x6e: {  	_ =	shalt  }
0x6f: {  	_ =	shalt  }
0x70: {  	_ =	shalt  }
0x71: {  	_ =	shalt  }
0x72: {  	_ =	shalt  }
0x73: {  	_ =	shalt  }
0x74: {  	_ =	shalt  }
0x75: {  	_ =	shalt  }
0x76: {  	_ =	shalt  }
0x77: {  	_ =	shalt  }
0x78: {  	_ =	shalt  }
0x79: {  	_ =	shalt  }
0x7a: {  	_ =	shalt  }
0x7b: {  	_ =	shalt  }
0x7c: {  	_ =	shalt  }
0x7d: {  	_ =	shalt  }
0x7e: {  	_ =	shalt  }
0x7f: {  	_ =	shalt  }
0x80: {  	_ =	shalt  }
0x81: {  	_ =	shalt  }
0x82: {  	_ =	shalt  }
0x83: {  	_ =	shalt  }
0x84: {  	_ =	shalt  }
0x85: {  	_ =	shalt  }
0x86: {  	_ =	shalt  }
0x87: {  	_ =	shalt  }
.Lfunc_end0:
.L_simem_size_0:
called_computation_lowered:
.L_overlay_start_0:
0x88: {  	s2 =	sld [smem:$0x3FD9]  }
0x89: {  	s3 =	sld [smem:$0x3FFE];
	_ =	sdelay $0x1  }
0x8a: {  	s1 =	srdreg.scid  }
0x8b: {  	s0 =	sand.u32 $0x1, s1  }
0x8c: {  	s14 =	sshll.u32 s0, $0xA;
	s2 =	sadd.s32 s3, s2  }
0x8d: {  	s2 =	sadd.s32 s2, s14  }
0x8e: {  	[smem:$0x3FC0] =	sst s2  }
0x8f: {  	_ = 	snop  }
0x90: {  	s2 =	sld [smem:$0x3FD0];
	_ =	sdelay $0x2  }
0x91: {  	s15 =	simm.s32 $0xA;
	s4 =	simm.s32 $0x10  }
0x92: {  	[smem:s4], [sflag:s15] =	dma.local [hbm:s2], $0x1  }
0x93: {  	_ =	swait.eq [sflag:s15], $0x1  }
0x94: {  	[sflag:s15] =	ssyncset.done $0x0  }
0x95: {  	s16 =	sld [smem:$0x10];
	[sflag:s15] =	ssyncadd.s32 $0xFFFFFFFF  }
0x96: {  	s17 =	sld [smem:$0x11];
	(tm) =	ssettm $0x1  }
0x97: {  	s18 =	sld [smem:$0x3FFB];
	_ =	sdelay $0x3  }
0x98: {  	_ =	strace s18  }
0x99: {  	s4 =	sld [smem:$0x3FFC];
	_ =	sdelay $0x3  }
0x9a: {  	_ =	strace s4  }
0x9b: {  	s4 =	sld [smem:$0x3FFD];
	_ =	sdelay $0x3  }
0x9c: {  	_ =	strace s4  }
0x9d: {  	_ =	strace $0x8FFFFFFF  }
0x9e: {  	s19 =	sld [smem:$0x3FDB];
	_ =	sdelay $0x1  }
0x9f: {  	s5 =	simm.s32 $_scs_section_size  }
0xa0: {  	s6 =	simm.s32 $_size__tile_overlayer_lowered;
	s7 =	simm.s32 $_tile_overlayer_lowered  }
0xa1: {  	s22 =	simm.s32 $0x1BFF;
	s21 =	sshll.u32 s7, $0x1;
	s4 =	sadd.s32 s5, s19  }
0xa2: {  	s8 =	simm.s32 $0x0;
	s20 =	sshll.u32 s6, $0x1;
	s6 =	sadd.s32 s21, s4  }
0xa3: {  	[timem:s8], [sflag:s22] =	dma.local [hbm:s6], s20  }
0xa4: {  	_ =	swait.ge [sflag:s22], s20  }
0xa5: {  	s5 =	ssub.s32 $0x0, s20;
	[sflag:s22] =	ssyncset.done $0x0  }
0xa6: {  	[sflag:s22] =	ssyncadd.s32 s5;
	_ =	sdelay $0x1  }
0xa7: {  	s23 =	simm.s32 $0x1B8B  }
0xa8: {  	_ =	swait.ge [sflag:s23], $0x1  }
0xa9: {  	[sflag:s23] =	ssyncset.done $0x0  }
0xaa: {  	s25 =	simm.s32 $0x1B8E;
	s24 =	sld [smem:$0x3FFE];
	[sflag:s23] =	ssyncadd.s32 $0xFFFFFFFF  }
0xab: {  	s26 =	simm.s32 $execute0_lowered;
	[smem:$0x3FD2] =	sst s25  }
0xac: {  	s6 =	sshll.u32 s26, $0x1;
	_ =	strace $0x80000046;
	[dreg:$0x1] =	wrdreg $0xFFFFFFFF  }
0xad: {  	s28 =	simm.s32 $_size_execute0_lowered;
	s4 =	sadd.s32 s4, s6;
	[dreg:$0x0] =	wrdreg $0x0  }
0xae: {  	s6 =	sshll.u32 s28, $0x1;
	[dreg:$0x2] =	wrdreg s4  }
0xaf: {  	[dreg:$0x3] =	wrdreg s6  }
0xb0: {  	[dreg:$0x4] =	wrdreg $0xC0  }
0xb1: {  	_ =	task [dreg:s8], $0x5FFFF  }
0xb2: {  	[dreg:$0x1] =	wrdreg $0xFFFFFFFF  }
0xb3: {  	[dreg:$0x0] =	wrdreg $0x60  }
0xb4: {  	[dreg:$0x2] =	wrdreg s24  }
0xb5: {  	[dreg:$0x3] =	wrdreg s16  }
0xb6: {  	[dreg:$0x4] =	wrdreg s17  }
0xb7: {  	[dreg:$0x5] =	wrdreg $0x2C000  }
0xb8: {  	[dreg:$0x6] =	wrdreg $0x9  }
0xb9: {  	_ =	task.clear_ibuf [dreg:s8], $0x7FFFF;
	_ =	strace $0x90000046  }
0xba: {  	s29 =	simm.s32 $0x9;
	_ =	strace $0x80000048  }
0xbb: {  	_ =	swait.ge [sflag:s29], $0x1  }
0xbc: {  	[sflag:s29] =	ssyncadd.s32 $0xFFFFFFFF  }
0xbd: {  	_ =	strace $0x90000048  }
0xbe: {  	_ =	sfence  }
0xbf: {  	s30 =	sld [smem:$0x0];
	_ =	sdelay $0x2  }
0xc0: {  	s31 =	sshll.u32 s1, $0xD;
	s1 =	sshrl.u32 s1, $0x2  }
0xc1: {  	s3 =	sand.u32 $0x4000, s31;
	s1 =	sadd.s32 s1, s30  }
0xc2: {  	s0 =	sor.u32 s3, s0;
	s1 =	sshll.u32 s1, $0x11  }
0xc3: {  	s0 =	sor.u32 s1, s0  }
0xc4: {  	s0 =	sadd.s32 $0x8F2B, s0  }
0xc5: {  	[sflag:s0] =	ssyncadd.remote.s32 $0x1  }
0xc6: {  	_ =	sfence.sel $0xFFFF  }
0xc7: {  	[dreg:$0x0] =	wrdreg $0xFFFFFFFF;
	(pc) =	sbr.abs _section_cstart, $3  }
0xc8: {  	[dreg:$0x1] =	wrdreg $0xFFFFFFFF  }
0xc9: {  	_ =	task.clear_ibuf [dreg:s8], $0x2FFFF;
	_ =	strace $0x9FFFFFFF  }
0xca: {  	(tm) =	ssettm $0x7FFFFFFF  }
0xcb: {  	_ =	shalt  }
tec
execute0_lowered:
.L_overlay_start_1:
0x0: {  	(tag) =	ssettag $0x1  }
0x1: {  	s6 =	rddreg [dreg:$0x0]  }
0x2: {  	s1 =	rddreg [dreg:$0x1]  }
0x3: {  	s2 =	srdreg.scid;
	s3 =	rddreg [dreg:$0x2]  }
0x4: {  	s0 =	stileid.u32;
	s4 =	rddreg [dreg:$0x3];
	s5 =	simm.s32 $0x0  }
0x5: {  	s13 =	simm.s32 $0x80;
	s7 =	sand.u32 $0x1, s2;
	s2 =	rddreg [dreg:$0x4]  }
0x6: {  	s14 =	simm.s32 $0x0;
	s8 =	smul.u32 $0x1400, s0;
	[smem:$0x7FF] =	sst s5  }
0x7: {  	s31 =	sshll.u32 s0, $0x6;
	s9 =	sshll.u32 s7, $0x4;
	s10 =	smul.u32 $0x14000, s7  }
0x8: {  	_ =	strace $0x80000047;
	s7 =	ssub.s32 $0x2, s7;
	s9 =	sor.u32 s0, s9  }
0x9: {  	s30 =	sshrl.u32 s7, $0x1;
	s9 =	smul.u32 $0x500, s9;
	s10 =	sadd.s32 s8, s10  }
0xa: {  	s12 =	sadd.s32 s8, s4;
	s11 =	ssub.s32 s7, s30;
	s10 =	sshrl.u32 s10, $0x3  }
0xb: {  	s9 =	sadd.s32 s9, s6;
	s10 =	sadd.s32 s10, s6;
	s6 =	sor.u32 $0x1C01, s31  }
0xc: {  	s7 =	sadd.s32 $0x2600, s9;
	s8 =	sadd.s32 $0xC600, s10;
	s9 =	smax.u32 s11, $0x1  }
0xd: {  	s10 =	sshrl.u32 s12, $0x3;
	s11 =	simm.s32 $0x1;
	s12 =	simm.s32 $0x2800  }
.LBB2_1:
0xe: {  	[spmem:s10], [sflag:s6] =	dma.local [hbm:s3], $0x280  }
0xf: {  	_ =	swait.ge [sflag:s11], $0x280  }
0x10: {  	[sflag:s11] =	ssyncset.done $0x0  }
0x11: {  	[sflag:s11] =	ssyncadd.s32 $0xFFFFFD80  }
0x12: {  	[tilespmem:s5], [sflag:$0x1] =	stream.linear.gather [hbm4b:s7+s5], $0x2800, $0x38;
	[tilespmem:$0x4000] =	vst v63  }
0x13: {  	_ =	swait.ge [sflag:s11], $0x2800  }
0x14: {  	[sflag:s11] =	ssyncset.done $0x0  }
0x15: {  	[sflag:s11] =	ssyncadd.s32 $0xFFFFD800  }
0x16: {  	[tilespmem:s12], [sflag:$0x1] =	stream.linear.gather [hbm4b:s1+s5], $0x400, $0x38;
	[tilespmem:$0x4000] =	vst v63  }
0x17: {  	_ =	swait.ge [sflag:s11], $0x400  }
0x18: {  	[sflag:s11] =	ssyncset.done $0x0  }
0x19: {  	[sflag:s11] =	ssyncadd.s32 $0xFFFFFC00  }
0x1a: {  	s15 =	simm.s32 $0x0;
	[bflag:$0x0] =	sbarrier.arrive $0xFFFF  }
0x1b: {  	[spmem:s4] =	stream.indirect.scatter.add.f32 [tilespmem:s12], [sflag:$0x1], $0x8, s15, s13, $0xb8;
	[tilespmem:$0x4000] =	vst v63  }
0x1c: {  	_ =	swait.ge [sflag:s11], $0x400  }
0x1d: {  	s15 =	simm.s32 $0x200;
	[sflag:s11] =	ssyncset.done $0x0  }
.LBB2_2:
0x1e: {  	s16 =	sshra.s32 s15, $0x2;
	[sflag:s11] =	ssyncadd.s32 $0xFFFFFC00;
	p0 =	sne.s32 s15, $0x9E00  }
0x1f: {  	[spmem:s4] =	stream.indirect.scatter.add.f32 [tilespmem:s12], [sflag:$0x1], $0x8, s16, s13, $0xb8;
	[tilespmem:$0x4000] =	vst v63  }
.Ltmp0:
0x20: {  	_ = 	snop;
	(pc) =	sbr.rel @p0 .LBB2_2-.Ltmp0, $4  }
0x21: {  	_ = 	snop  }
0x22: {  	s15 =	sadd.s32 $0x200, s15  }
0x23: {  	_ =	swait.ge [sflag:s11], $0x400  }
0x24: {  	[sflag:s11] =	ssyncset.done $0x0  }
0x25: {  	s14 =	sadd.s32 $0x1, s14  }
0x26: {  	[sflag:s11] =	ssyncadd.s32 $0xFFFFFC00;
	p0 =	sne.s32 s14, s9  }
.Ltmp1:
0x27: {  	[bflag:$0x0] =	sbarrier.arrive $0xFFFF;
	(pc) =	sbr.rel @p0 .LBB2_1-.Ltmp1, $4  }
0x28: {  	[hbm:s8], [sflag:s6] =	dma.local [spmem:s10], $0x280  }
0x29: {  	_ =	swait.ge [sflag:s11], $0x280  }
0x2a: {  	[sflag:s11] =	ssyncset.done $0x0  }
0x2b: {  	[sflag:s11] =	ssyncadd.s32 $0xFFFFFD80  }
0x2c: {  	_ =	sfence.sel $0x180000  }
0x2d: {  	[bflag:$0x0] =	sbarrier.arrive $0xFFFF  }
0x2e: {  	p0 =	sne.s32 s0, $0x0;
	_ =	strace $0x90000047  }
0x2f: {  	s0 =	sadd.s32 @!p0 $0x100000, s2;
	[bflag:$0x2] =	sbarrier.arrive $0xFFFF  }
0x30: {  	[sflag:s0] =	ssyncadd.tile.s32 @!p0 $0x1;
	_ =	shalt  }
.Lfunc_end2:
_tile_overlayer_lowered:
.L_overlay_start_2:
0x31: {  	(tag) =	ssettag $0x2  }
0x32: {  	s0 =	rddreg [dreg:$0x0];
	s2 =	stileid.u32  }
0x33: {  	s1 =	rddreg [dreg:$0x1];
	p0 =	sne.s32 s2, $0x0  }
0x34: {  	s3 =	rddreg [dreg:$0x2];
	[bflag:$0x3] =	sbarrier.arrive $0xFFFF;
	s2 =	simm.s32 @!p0 $0x1C01  }
0x35: {  	[timem:s3], [sflag:s2] =	dma.local @!p0 [hbm:s0], s1  }
0x36: {  	s0 =	simm.s32 @!p0 $0x1  }
0x37: {  	_ =	swait.ge @!p0 [sflag:s0], s1  }
0x38: {  	s1 =	ssub.s32 @!p0 $0x0, s1;
	[sflag:s0] =	ssyncset.done @!p0 $0x0  }
0x39: {  	[sflag:s0] =	ssyncadd.s32 @!p0 s1  }
0x3a: {  	[bflag:$0x3] =	sbarrier.arrive $0xFFFF  }
0x3b: {  	_ =	shalt  }

</sc_bundles>
